<compile_context>
chip_gen: v7x
topology: tpu7x:2x2x1
jax: 0.10.2.dev20260603
libtpu: 0.0.44.dev20260713+nightly
codegen_flags: <defaults>
</compile_context>

<pallas_src>
import functools

import jax
import jax.numpy as jnp
from jax import lax
from jax.experimental import pallas as pl
from jax.experimental.pallas import tpu as pltpu
from jax.experimental.pallas import tpu_sc as plsc

D = 64
SCALE = 8.0
NC = 2
NS = 16
NW = NC * NS
L = 16
TR = 2
NB = 4


def _sc_embed(tokens, tableP):
    R, S = tokens.shape
    r_per_w = R // NW
    n_chunks = r_per_w // TR
    n_iters = n_chunks // NB
    mesh = plsc.VectorSubcoreMesh(core_axis_name="c", subcore_axis_name="s")

    @functools.partial(
        pl.kernel,
        mesh=mesh,
        out_type=jax.ShapeDtypeStruct((R, S, 2 * D), jnp.float32),
        scratch_types=[
            pltpu.VMEM((r_per_w, S), jnp.int32),
            pltpu.VMEM((TR, S, 2 * D), jnp.float32),
            pltpu.VMEM((TR, S, 2 * D), jnp.float32),
            pltpu.VMEM((TR, S, 2 * D), jnp.float32),
            pltpu.VMEM((TR, S, 2 * D), jnp.float32),
            pltpu.SemaphoreType.DMA,
            pltpu.SemaphoreType.DMA,
            pltpu.SemaphoreType.DMA,
            pltpu.SemaphoreType.DMA,
            pltpu.SemaphoreType.DMA,
            pltpu.SemaphoreType.DMA,
            pltpu.SemaphoreType.DMA,
            pltpu.SemaphoreType.DMA,
        ],
        compiler_params=pltpu.CompilerParams(use_tc_tiling_on_sc=True),
    )
    def k(table_hbm, tok_hbm, out_hbm, idx_all,
          rows0, rows1, rows2, rows3,
          g0, g1, g2, g3, w0, w1, w2, w3):
        wid = lax.axis_index("s") * NC + lax.axis_index("c")
        base = wid * r_per_w
        rows = (rows0, rows1, rows2, rows3)
        gsem = (g0, g1, g2, g3)
        wsem = (w0, w1, w2, w3)

        pltpu.sync_copy(tok_hbm.at[pl.ds(base, r_per_w)], idx_all)

        def g_issue(c, b):
            for i in range(TR):
                pltpu.async_copy(
                    table_hbm.at[idx_all.at[c * TR + i]],
                    rows[b].at[i], gsem[b])

        def g_wait(c, b):
            for i in range(TR):
                pltpu.make_async_copy(
                    table_hbm.at[idx_all.at[c * TR + i]],
                    rows[b].at[i], gsem[b]).wait()

        def wb_issue(c, b):
            pltpu.async_copy(
                rows[b], out_hbm.at[pl.ds(base + c * TR, TR)], wsem[b])

        def wb_wait(c, b):
            pltpu.make_async_copy(
                rows[b], out_hbm.at[pl.ds(base + c * TR, TR)],
                wsem[b]).wait()

        def scale(b):
            r = rows[b]

            @plsc.parallel_loop(0, S, 1, unroll=2)
            def _sc(col):
                for i in range(TR):
                    for q in range(D // L):
                        r[i, col, pl.ds(q * L, L)] = (
                            r[i, col, pl.ds(q * L, L)] * SCALE)

        g_issue(0, 0)
        g_issue(1, 1)

        def body(j, carry):
            for t in range(NB):
                c = NB * j + t
                bn = (t + 2) % NB

                @pl.when(c + 2 < n_chunks)
                def _():
                    @pl.when(c >= 2)
                    def _():
                        wb_wait(c - 2, bn)

                    g_issue(c + 2, bn)

                g_wait(c, t)
                scale(t)
                wb_issue(c, t)
            return carry

        lax.fori_loop(0, n_iters, body, 0)
        for c in range(n_chunks - NB, n_chunks):
            wb_wait(c, c % NB)

    return k(tableP, tokens)


def kernel(tokens, table):
    tableP = jnp.pad(table, ((0, 0), (0, D)))
    out2 = _sc_embed(tokens, tableP)
    return out2[:, :, :D]

# --- scband reference (transcript-rebuilt; emitter-appended) ---
"""Pipeline reference for scband-token-embedding-20675972563324 (READ-ONLY COPY).

The authoritative reference and input builder live on the scoring server;
editing this copy changes nothing except your own understanding.
"""

import jax, jax.numpy as jnp
import numpy as np
import math

VOCAB_SIZE = 100000
EMB_SIZE = 64

def setup_inputs(seed: int = 0) -> dict:
    key = jax.random.key(seed)
    k1, k2 = jax.random.split(key)
    tokens = jax.random.randint(k1, (4096, 50), 0, VOCAB_SIZE, dtype=jnp.int64 if jax.config.jax_enable_x64 else jnp.int32)
    table = jax.random.normal(k2, (VOCAB_SIZE, EMB_SIZE), dtype=jnp.float32)
    return {"tokens": tokens, "table": table}

def reference(tokens, table):
    # nn.Embedding lookup followed by scale by sqrt(emb_size)
    emb = jnp.take(table, tokens, axis=0)
    return emb * math.sqrt(EMB_SIZE)

if __name__ == "__main__":
    import jax
    _d = setup_inputs()
    print(jax.jit(kernel)(*tuple(_d.values())))

</pallas_src>

<mosaic_0001>
#map = affine_map<(d0, d1) -> (0, 0)>
#map1 = affine_map<(d0, d1) -> (0, 0, 0)>
module attributes {stable_mosaic.version = 14 : i64} {
  func.func @k(%arg0: i32, %arg1: i32, %arg2: memref<100000x128xf32, #tpu.memory_space<hbm>>, %arg3: memref<4096x50xi32, #tpu.memory_space<hbm>>, %arg4: memref<4096x50x128xf32, #tpu.memory_space<hbm>>, %arg5: memref<128x50xi32, #tpu.memory_space<vmem>>, %arg6: memref<2x50x128xf32, #tpu.memory_space<vmem>>, %arg7: memref<2x50x128xf32, #tpu.memory_space<vmem>>, %arg8: memref<2x50x128xf32, #tpu.memory_space<vmem>>, %arg9: memref<2x50x128xf32, #tpu.memory_space<vmem>>, %arg10: memref<!tpu.dma_semaphore, #tpu.memory_space<semaphore_mem>>, %arg11: memref<!tpu.dma_semaphore, #tpu.memory_space<semaphore_mem>>, %arg12: memref<!tpu.dma_semaphore, #tpu.memory_space<semaphore_mem>>, %arg13: memref<!tpu.dma_semaphore, #tpu.memory_space<semaphore_mem>>, %arg14: memref<!tpu.dma_semaphore, #tpu.memory_space<semaphore_mem>>, %arg15: memref<!tpu.dma_semaphore, #tpu.memory_space<semaphore_mem>>, %arg16: memref<!tpu.dma_semaphore, #tpu.memory_space<semaphore_mem>>, %arg17: memref<!tpu.dma_semaphore, #tpu.memory_space<semaphore_mem>>) attributes {dimension_semantics = [#tpu.dimension_semantics<core_parallel>, #tpu.dimension_semantics<subcore_parallel>], iteration_bounds = array<i64: 2, 16>, scalar_prefetch = 0 : i64, scratch_operands = 13 : i64, tpu.core_type = #tpu.core_type<sc_vector_subcore>, window_params = [{transform_indices = #map}, {transform_indices = #map}, {transform_indices = #map1}]} {
    %mul3A = arith.constant 2 : i32
    %mul3A_0 = arith.muli %arg1, %mul3A : i32
    %add3A = arith.addi %mul3A_0, %arg0 : i32
    %mul3A_1 = arith.constant 128 : i32
    %mul3A_2 = arith.muli %add3A, %mul3A_1 : i32
    "tpu.region"() ({
      %run_scoped3A = tpu.sem_alloc : memref<!tpu.dma_semaphore, #tpu.memory_space<semaphore_mem>>
      %dma_start3A_86 = arith.constant 0 : i32
      %dma_start3A_87 = tpu.memref_slice %arg3[%mul3A_2, %dma_start3A_86] : memref<4096x50xi32, #tpu.memory_space<hbm>> -> memref<128x50xi32, #tpu.memory_space<hbm>>
      %dma_start3A_88 = arith.constant 0 : i32
      %dma_start3A_89 = tpu.memref_slice %arg3[%mul3A_2, %dma_start3A_88] : memref<4096x50xi32, #tpu.memory_space<hbm>> -> memref<128x50xi32, #tpu.memory_space<hbm>>
      tpu.enqueue_dma source(%dma_start3A_89 : memref<128x50xi32, #tpu.memory_space<hbm>>) target(%arg5 : memref<128x50xi32, #tpu.memory_space<vmem>>) target_semaphore(%run_scoped3A : memref<!tpu.dma_semaphore, #tpu.memory_space<semaphore_mem>>)
      %dma_wait3A_90 = arith.constant 0 : i32
      %dma_wait3A_91 = tpu.memref_slice %arg3[%mul3A_2, %dma_wait3A_90] : memref<4096x50xi32, #tpu.memory_space<hbm>> -> memref<128x50xi32, #tpu.memory_space<hbm>>
      %dma_wait3A_92 = arith.constant 0 : i32
      %dma_wait3A_93 = tpu.memref_slice %arg3[%mul3A_2, %dma_wait3A_92] : memref<4096x50xi32, #tpu.memory_space<hbm>> -> memref<128x50xi32, #tpu.memory_space<hbm>>
      tpu.wait_dma2 semaphore(%run_scoped3A : memref<!tpu.dma_semaphore, #tpu.memory_space<semaphore_mem>>) src(%dma_wait3A_93 : memref<128x50xi32, #tpu.memory_space<hbm>>) dst(%arg5 : memref<128x50xi32, #tpu.memory_space<vmem>>)
      tpu.yield
    }) : () -> ()
    %dma_start3A = arith.constant 0 : i32
    %dma_start3A_3 = arith.constant 0 : i32
    %dma_start3A_4 = arith.constant 0 : i32
    %dma_start3A_5 = arith.constant 0 : i32
    %dma_start3A_6 = tpu.memref_slice %arg6[%dma_start3A_3, %dma_start3A_4, %dma_start3A_5] : memref<2x50x128xf32, #tpu.memory_space<vmem>> -> memref<1x50x128xf32, #tpu.memory_space<vmem>>
    %dma_start3A_7 = tpu.memref_squeeze %dma_start3A_6 : memref<1x50x128xf32, #tpu.memory_space<vmem>> -> memref<50x128xf32, #tpu.memory_space<vmem>>
    %dma_start3A_8 = arith.constant 0 : i32
    %dma_start3A_9 = tpu.memref_slice %arg5[%dma_start3A, %dma_start3A_8] : memref<128x50xi32, #tpu.memory_space<vmem>> -> memref<1x50xi32, #tpu.memory_space<vmem>>
    %dma_start3A_10 = tpu.memref_squeeze %dma_start3A_9 : memref<1x50xi32, #tpu.memory_space<vmem>> -> memref<50xi32, #tpu.memory_space<vmem>>
    %dma_start3A_11 = arith.constant 0 : i32
    %dma_start3A_12 = arith.constant 0 : i32
    %dma_start3A_13 = tpu.memref_slice %arg2[%dma_start3A_11, %dma_start3A_12] : memref<100000x128xf32, #tpu.memory_space<hbm>> -> memref<100000x128xf32, #tpu.memory_space<hbm>>
    tpu.enqueue_indirect_dma source(%dma_start3A_13 : memref<100000x128xf32, #tpu.memory_space<hbm>>) target(%dma_start3A_7 : memref<50x128xf32, #tpu.memory_space<vmem>>) offsets(%dma_start3A_10 : memref<50xi32, #tpu.memory_space<vmem>>) semaphore(%arg10 : memref<!tpu.dma_semaphore, #tpu.memory_space<semaphore_mem>>)
    %dma_start3A_14 = arith.constant 1 : i32
    %dma_start3A_15 = arith.constant 1 : i32
    %dma_start3A_16 = arith.constant 0 : i32
    %dma_start3A_17 = arith.constant 0 : i32
    %dma_start3A_18 = tpu.memref_slice %arg6[%dma_start3A_15, %dma_start3A_16, %dma_start3A_17] : memref<2x50x128xf32, #tpu.memory_space<vmem>> -> memref<1x50x128xf32, #tpu.memory_space<vmem>>
    %dma_start3A_19 = tpu.memref_squeeze %dma_start3A_18 : memref<1x50x128xf32, #tpu.memory_space<vmem>> -> memref<50x128xf32, #tpu.memory_space<vmem>>
    %dma_start3A_20 = arith.constant 0 : i32
    %dma_start3A_21 = tpu.memref_slice %arg5[%dma_start3A_14, %dma_start3A_20] : memref<128x50xi32, #tpu.memory_space<vmem>> -> memref<1x50xi32, #tpu.memory_space<vmem>>
    %dma_start3A_22 = tpu.memref_squeeze %dma_start3A_21 : memref<1x50xi32, #tpu.memory_space<vmem>> -> memref<50xi32, #tpu.memory_space<vmem>>
    %dma_start3A_23 = arith.constant 0 : i32
    %dma_start3A_24 = arith.constant 0 : i32
    %dma_start3A_25 = tpu.memref_slice %arg2[%dma_start3A_23, %dma_start3A_24] : memref<100000x128xf32, #tpu.memory_space<hbm>> -> memref<100000x128xf32, #tpu.memory_space<hbm>>
    tpu.enqueue_indirect_dma source(%dma_start3A_25 : memref<100000x128xf32, #tpu.memory_space<hbm>>) target(%dma_start3A_19 : memref<50x128xf32, #tpu.memory_space<vmem>>) offsets(%dma_start3A_22 : memref<50xi32, #tpu.memory_space<vmem>>) semaphore(%arg10 : memref<!tpu.dma_semaphore, #tpu.memory_space<semaphore_mem>>)
    %dma_start3A_26 = arith.constant 2 : i32
    %dma_start3A_27 = arith.constant 0 : i32
    %dma_start3A_28 = arith.constant 0 : i32
    %dma_start3A_29 = arith.constant 0 : i32
    %dma_start3A_30 = tpu.memref_slice %arg7[%dma_start3A_27, %dma_start3A_28, %dma_start3A_29] : memref<2x50x128xf32, #tpu.memory_space<vmem>> -> memref<1x50x128xf32, #tpu.memory_space<vmem>>
    %dma_start3A_31 = tpu.memref_squeeze %dma_start3A_30 : memref<1x50x128xf32, #tpu.memory_space<vmem>> -> memref<50x128xf32, #tpu.memory_space<vmem>>
    %dma_start3A_32 = arith.constant 0 : i32
    %dma_start3A_33 = tpu.memref_slice %arg5[%dma_start3A_26, %dma_start3A_32] : memref<128x50xi32, #tpu.memory_space<vmem>> -> memref<1x50xi32, #tpu.memory_space<vmem>>
    %dma_start3A_34 = tpu.memref_squeeze %dma_start3A_33 : memref<1x50xi32, #tpu.memory_space<vmem>> -> memref<50xi32, #tpu.memory_space<vmem>>
    %dma_start3A_35 = arith.constant 0 : i32
    %dma_start3A_36 = arith.constant 0 : i32
    %dma_start3A_37 = tpu.memref_slice %arg2[%dma_start3A_35, %dma_start3A_36] : memref<100000x128xf32, #tpu.memory_space<hbm>> -> memref<100000x128xf32, #tpu.memory_space<hbm>>
    tpu.enqueue_indirect_dma source(%dma_start3A_37 : memref<100000x128xf32, #tpu.memory_space<hbm>>) target(%dma_start3A_31 : memref<50x128xf32, #tpu.memory_space<vmem>>) offsets(%dma_start3A_34 : memref<50xi32, #tpu.memory_space<vmem>>) semaphore(%arg11 : memref<!tpu.dma_semaphore, #tpu.memory_space<semaphore_mem>>)
    %dma_start3A_38 = arith.constant 3 : i32
    %dma_start3A_39 = arith.constant 1 : i32
    %dma_start3A_40 = arith.constant 0 : i32
    %dma_start3A_41 = arith.constant 0 : i32
    %dma_start3A_42 = tpu.memref_slice %arg7[%dma_start3A_39, %dma_start3A_40, %dma_start3A_41] : memref<2x50x128xf32, #tpu.memory_space<vmem>> -> memref<1x50x128xf32, #tpu.memory_space<vmem>>
    %dma_start3A_43 = tpu.memref_squeeze %dma_start3A_42 : memref<1x50x128xf32, #tpu.memory_space<vmem>> -> memref<50x128xf32, #tpu.memory_space<vmem>>
    %dma_start3A_44 = arith.constant 0 : i32
    %dma_start3A_45 = tpu.memref_slice %arg5[%dma_start3A_38, %dma_start3A_44] : memref<128x50xi32, #tpu.memory_space<vmem>> -> memref<1x50xi32, #tpu.memory_space<vmem>>
    %dma_start3A_46 = tpu.memref_squeeze %dma_start3A_45 : memref<1x50xi32, #tpu.memory_space<vmem>> -> memref<50xi32, #tpu.memory_space<vmem>>
    %dma_start3A_47 = arith.constant 0 : i32
    %dma_start3A_48 = arith.constant 0 : i32
    %dma_start3A_49 = tpu.memref_slice %arg2[%dma_start3A_47, %dma_start3A_48] : memref<100000x128xf32, #tpu.memory_space<hbm>> -> memref<100000x128xf32, #tpu.memory_space<hbm>>
    tpu.enqueue_indirect_dma source(%dma_start3A_49 : memref<100000x128xf32, #tpu.memory_space<hbm>>) target(%dma_start3A_43 : memref<50x128xf32, #tpu.memory_space<vmem>>) offsets(%dma_start3A_46 : memref<50xi32, #tpu.memory_space<vmem>>) semaphore(%arg11 : memref<!tpu.dma_semaphore, #tpu.memory_space<semaphore_mem>>)
    %scan3A = arith.constant 0 : i32
    %scan3A_50 = arith.constant 0 : i32
    %scan3A_51 = arith.constant 16 : i32
    %scan3A_52 = arith.addi %scan3A_50, %scan3A_51 : i32
    %scan3A_53 = arith.constant 1 : i32
    scf.for %scan3A_86 = %scan3A_50 to %scan3A_52 step %scan3A_53  : i32 {
      %mul3A_87 = arith.constant 4 : i32
      %mul3A_88 = arith.muli %mul3A_87, %scan3A_86 : i32
      %add3A_89 = arith.constant 0 : i32
      %add3A_90 = arith.addi %mul3A_88, %add3A_89 : i32
      %add3A_91 = arith.constant 2 : i32
      %add3A_92 = arith.addi %add3A_90, %add3A_91 : i32
      %lt3A = arith.constant 64 : i32
      %lt3A_93 = arith.cmpi slt, %add3A_92, %lt3A : i32
      %convert_element_type3A = arith.extui %lt3A_93 : i1 to i32
      %cond3A = arith.constant 0 : i32
      %cond3A_94 = arith.cmpi ne, %convert_element_type3A, %cond3A : i32
      scf.if %cond3A_94 {
        %ge3A = arith.constant 2 : i32
        %ge3A_295 = arith.cmpi sge, %add3A_90, %ge3A : i32
        %convert_element_type3A_296 = arith.extui %ge3A_295 : i1 to i32
        %cond3A_297 = arith.constant 0 : i32
        %cond3A_298 = arith.cmpi ne, %convert_element_type3A_296, %cond3A_297 : i32
        scf.if %cond3A_298 {
          %sub3A = arith.constant 2 : i32
          %sub3A_331 = arith.subi %add3A_90, %sub3A : i32
          %mul3A_332 = arith.constant 2 : i32
          %mul3A_333 = arith.muli %sub3A_331, %mul3A_332 : i32
          %add3A_334 = arith.addi %mul3A_2, %mul3A_333 : i32
          %dma_wait3A_335 = arith.constant 0 : i32
          %dma_wait3A_336 = arith.constant 0 : i32
          %dma_wait3A_337 = tpu.memref_slice %arg4[%add3A_334, %dma_wait3A_335, %dma_wait3A_336] : memref<4096x50x128xf32, #tpu.memory_space<hbm>> -> memref<2x50x128xf32, #tpu.memory_space<hbm>>
          %dma_wait3A_338 = arith.constant 0 : i32
          %dma_wait3A_339 = arith.constant 0 : i32
          %dma_wait3A_340 = tpu.memref_slice %arg4[%add3A_334, %dma_wait3A_338, %dma_wait3A_339] : memref<4096x50x128xf32, #tpu.memory_space<hbm>> -> memref<2x50x128xf32, #tpu.memory_space<hbm>>
          tpu.wait_dma2 semaphore(%arg16 : memref<!tpu.dma_semaphore, #tpu.memory_space<semaphore_mem>>) src(%arg8 : memref<2x50x128xf32, #tpu.memory_space<vmem>>) dst(%dma_wait3A_340 : memref<2x50x128xf32, #tpu.memory_space<hbm>>)
        } else {
        }
        %add3A_299 = arith.constant 2 : i32
        %add3A_300 = arith.addi %add3A_90, %add3A_299 : i32
        %mul3A_301 = arith.constant 2 : i32
        %mul3A_302 = arith.muli %add3A_300, %mul3A_301 : i32
        %add3A_303 = arith.constant 0 : i32
        %add3A_304 = arith.addi %mul3A_302, %add3A_303 : i32
        %dma_start3A_305 = arith.constant 0 : i32
        %dma_start3A_306 = arith.constant 0 : i32
        %dma_start3A_307 = arith.constant 0 : i32
        %dma_start3A_308 = tpu.memref_slice %arg8[%dma_start3A_305, %dma_start3A_306, %dma_start3A_307] : memref<2x50x128xf32, #tpu.memory_space<vmem>> -> memref<1x50x128xf32, #tpu.memory_space<vmem>>
        %dma_start3A_309 = tpu.memref_squeeze %dma_start3A_308 : memref<1x50x128xf32, #tpu.memory_space<vmem>> -> memref<50x128xf32, #tpu.memory_space<vmem>>
        %dma_start3A_310 = arith.constant 0 : i32
        %dma_start3A_311 = tpu.memref_slice %arg5[%add3A_304, %dma_start3A_310] : memref<128x50xi32, #tpu.memory_space<vmem>> -> memref<1x50xi32, #tpu.memory_space<vmem>>
        %dma_start3A_312 = tpu.memref_squeeze %dma_start3A_311 : memref<1x50xi32, #tpu.memory_space<vmem>> -> memref<50xi32, #tpu.memory_space<vmem>>
        %dma_start3A_313 = arith.constant 0 : i32
        %dma_start3A_314 = arith.constant 0 : i32
        %dma_start3A_315 = tpu.memref_slice %arg2[%dma_start3A_313, %dma_start3A_314] : memref<100000x128xf32, #tpu.memory_space<hbm>> -> memref<100000x128xf32, #tpu.memory_space<hbm>>
        tpu.enqueue_indirect_dma source(%dma_start3A_315 : memref<100000x128xf32, #tpu.memory_space<hbm>>) target(%dma_start3A_309 : memref<50x128xf32, #tpu.memory_space<vmem>>) offsets(%dma_start3A_312 : memref<50xi32, #tpu.memory_space<vmem>>) semaphore(%arg12 : memref<!tpu.dma_semaphore, #tpu.memory_space<semaphore_mem>>)
        %mul3A_316 = arith.constant 2 : i32
        %mul3A_317 = arith.muli %add3A_300, %mul3A_316 : i32
        %add3A_318 = arith.constant 1 : i32
        %add3A_319 = arith.addi %mul3A_317, %add3A_318 : i32
        %dma_start3A_320 = arith.constant 1 : i32
        %dma_start3A_321 = arith.constant 0 : i32
        %dma_start3A_322 = arith.constant 0 : i32
        %dma_start3A_323 = tpu.memref_slice %arg8[%dma_start3A_320, %dma_start3A_321, %dma_start3A_322] : memref<2x50x128xf32, #tpu.memory_space<vmem>> -> memref<1x50x128xf32, #tpu.memory_space<vmem>>
        %dma_start3A_324 = tpu.memref_squeeze %dma_start3A_323 : memref<1x50x128xf32, #tpu.memory_space<vmem>> -> memref<50x128xf32, #tpu.memory_space<vmem>>
        %dma_start3A_325 = arith.constant 0 : i32
        %dma_start3A_326 = tpu.memref_slice %arg5[%add3A_319, %dma_start3A_325] : memref<128x50xi32, #tpu.memory_space<vmem>> -> memref<1x50xi32, #tpu.memory_space<vmem>>
        %dma_start3A_327 = tpu.memref_squeeze %dma_start3A_326 : memref<1x50xi32, #tpu.memory_space<vmem>> -> memref<50xi32, #tpu.memory_space<vmem>>
        %dma_start3A_328 = arith.constant 0 : i32
        %dma_start3A_329 = arith.constant 0 : i32
        %dma_start3A_330 = tpu.memref_slice %arg2[%dma_start3A_328, %dma_start3A_329] : memref<100000x128xf32, #tpu.memory_space<hbm>> -> memref<100000x128xf32, #tpu.memory_space<hbm>>
        tpu.enqueue_indirect_dma source(%dma_start3A_330 : memref<100000x128xf32, #tpu.memory_space<hbm>>) target(%dma_start3A_324 : memref<50x128xf32, #tpu.memory_space<vmem>>) offsets(%dma_start3A_327 : memref<50xi32, #tpu.memory_space<vmem>>) semaphore(%arg12 : memref<!tpu.dma_semaphore, #tpu.memory_space<semaphore_mem>>)
      } else {
      }
      %mul3A_95 = arith.constant 2 : i32
      %mul3A_96 = arith.muli %add3A_90, %mul3A_95 : i32
      %add3A_97 = arith.constant 0 : i32
      %add3A_98 = arith.addi %mul3A_96, %add3A_97 : i32
      %dma_wait3A_99 = arith.constant 0 : i32
      %dma_wait3A_100 = arith.constant 0 : i32
      %dma_wait3A_101 = arith.constant 0 : i32
      %dma_wait3A_102 = tpu.memref_slice %arg6[%dma_wait3A_99, %dma_wait3A_100, %dma_wait3A_101] : memref<2x50x128xf32, #tpu.memory_space<vmem>> -> memref<1x50x128xf32, #tpu.memory_space<vmem>>
      %dma_wait3A_103 = tpu.memref_squeeze %dma_wait3A_102 : memref<1x50x128xf32, #tpu.memory_space<vmem>> -> memref<50x128xf32, #tpu.memory_space<vmem>>
      %dma_wait3A_104 = arith.constant 0 : i32
      %dma_wait3A_105 = tpu.memref_slice %arg5[%add3A_98, %dma_wait3A_104] : memref<128x50xi32, #tpu.memory_space<vmem>> -> memref<1x50xi32, #tpu.memory_space<vmem>>
      %dma_wait3A_106 = tpu.memref_squeeze %dma_wait3A_105 : memref<1x50xi32, #tpu.memory_space<vmem>> -> memref<50xi32, #tpu.memory_space<vmem>>
      %dma_wait3A_107 = arith.constant 0 : i32
      %dma_wait3A_108 = arith.constant 0 : i32
      %dma_wait3A_109 = tpu.memref_slice %arg2[%dma_wait3A_107, %dma_wait3A_108] : memref<100000x128xf32, #tpu.memory_space<hbm>> -> memref<100000x128xf32, #tpu.memory_space<hbm>>
      tpu.wait_indirect_dma semaphore(%arg10 : memref<!tpu.dma_semaphore, #tpu.memory_space<semaphore_mem>>) src(%dma_wait3A_109 : memref<100000x128xf32, #tpu.memory_space<hbm>>) dst(%dma_wait3A_103 : memref<50x128xf32, #tpu.memory_space<vmem>>)
      %mul3A_110 = arith.constant 2 : i32
      %mul3A_111 = arith.muli %add3A_90, %mul3A_110 : i32
      %add3A_112 = arith.constant 1 : i32
      %add3A_113 = arith.addi %mul3A_111, %add3A_112 : i32
      %dma_wait3A_114 = arith.constant 1 : i32
      %dma_wait3A_115 = arith.constant 0 : i32
      %dma_wait3A_116 = arith.constant 0 : i32
      %dma_wait3A_117 = tpu.memref_slice %arg6[%dma_wait3A_114, %dma_wait3A_115, %dma_wait3A_116] : memref<2x50x128xf32, #tpu.memory_space<vmem>> -> memref<1x50x128xf32, #tpu.memory_space<vmem>>
      %dma_wait3A_118 = tpu.memref_squeeze %dma_wait3A_117 : memref<1x50x128xf32, #tpu.memory_space<vmem>> -> memref<50x128xf32, #tpu.memory_space<vmem>>
      %dma_wait3A_119 = arith.constant 0 : i32
      %dma_wait3A_120 = tpu.memref_slice %arg5[%add3A_113, %dma_wait3A_119] : memref<128x50xi32, #tpu.memory_space<vmem>> -> memref<1x50xi32, #tpu.memory_space<vmem>>
      %dma_wait3A_121 = tpu.memref_squeeze %dma_wait3A_120 : memref<1x50xi32, #tpu.memory_space<vmem>> -> memref<50xi32, #tpu.memory_space<vmem>>
      %dma_wait3A_122 = arith.constant 0 : i32
      %dma_wait3A_123 = arith.constant 0 : i32
      %dma_wait3A_124 = tpu.memref_slice %arg2[%dma_wait3A_122, %dma_wait3A_123] : memref<100000x128xf32, #tpu.memory_space<hbm>> -> memref<100000x128xf32, #tpu.memory_space<hbm>>
      tpu.wait_indirect_dma semaphore(%arg10 : memref<!tpu.dma_semaphore, #tpu.memory_space<semaphore_mem>>) src(%dma_wait3A_124 : memref<100000x128xf32, #tpu.memory_space<hbm>>) dst(%dma_wait3A_118 : memref<50x128xf32, #tpu.memory_space<vmem>>)
      %parallel_loop3A = arith.constant 0 : i32
      %parallel_loop3A_125 = arith.constant 50 : i32
      %parallel_loop3A_126 = arith.constant 1 : i32
      scf.for %parallel_loop3A_295 = %parallel_loop3A to %parallel_loop3A_125 step %parallel_loop3A_126  : i32 {
        %parallel_loop3A_296 = arith.constant 0 : i32
        %parallel_loop3A_297 = arith.index_cast %parallel_loop3A_296 : i32 to index
        %parallel_loop3A_298 = arith.index_cast %parallel_loop3A_295 : i32 to index
        %parallel_loop3A_299 = arith.constant 0 : index
        %parallel_loop3A_300 = tpu.vector_load %arg6[%parallel_loop3A_297, %parallel_loop3A_298, %parallel_loop3A_299] {strides = array<i32>} : memref<2x50x128xf32, #tpu.memory_space<vmem>>, vector<1x1x16xf32>,
        %parallel_loop3A_301 = vector.shape_cast %parallel_loop3A_300 : vector<1x1x16xf32> to vector<16xf32>
        %parallel_loop3A_302 = arith.constant 8.000000e+00 : f32
        %parallel_loop3A_303 = vector.broadcast %parallel_loop3A_302 : f32 to vector<16xf32>
        %parallel_loop3A_304 = arith.mulf %parallel_loop3A_301, %parallel_loop3A_303 : vector<16xf32>
        %parallel_loop3A_305 = arith.constant 0 : i32
        %parallel_loop3A_306 = arith.index_cast %parallel_loop3A_305 : i32 to index
        %parallel_loop3A_307 = arith.index_cast %parallel_loop3A_295 : i32 to index
        %parallel_loop3A_308 = arith.constant 0 : index
        %parallel_loop3A_309 = tpu.vector_load %arg6[%parallel_loop3A_306, %parallel_loop3A_307, %parallel_loop3A_308] {strides = array<i32>} : memref<2x50x128xf32, #tpu.memory_space<vmem>>, vector<1x1x16xf32>,
        %parallel_loop3A_310 = vector.shape_cast %parallel_loop3A_309 : vector<1x1x16xf32> to vector<16xf32>
        %parallel_loop3A_311 = vector.shape_cast %parallel_loop3A_304 : vector<16xf32> to vector<1x1x16xf32>
        tpu.vector_store %arg6[%parallel_loop3A_306, %parallel_loop3A_307, %parallel_loop3A_308], %parallel_loop3A_311 {strides = array<i32>} : memref<2x50x128xf32, #tpu.memory_space<vmem>>, vector<1x1x16xf32>,
        %parallel_loop3A_312 = arith.constant 0 : i32
        %parallel_loop3A_313 = arith.index_cast %parallel_loop3A_312 : i32 to index
        %parallel_loop3A_314 = arith.index_cast %parallel_loop3A_295 : i32 to index
        %parallel_loop3A_315 = arith.constant 16 : index
        %parallel_loop3A_316 = tpu.vector_load %arg6[%parallel_loop3A_313, %parallel_loop3A_314, %parallel_loop3A_315] {strides = array<i32>} : memref<2x50x128xf32, #tpu.memory_space<vmem>>, vector<1x1x16xf32>,
        %parallel_loop3A_317 = vector.shape_cast %parallel_loop3A_316 : vector<1x1x16xf32> to vector<16xf32>
        %parallel_loop3A_318 = arith.constant 8.000000e+00 : f32
        %parallel_loop3A_319 = vector.broadcast %parallel_loop3A_318 : f32 to vector<16xf32>
        %parallel_loop3A_320 = arith.mulf %parallel_loop3A_317, %parallel_loop3A_319 : vector<16xf32>
        %parallel_loop3A_321 = arith.constant 0 : i32
        %parallel_loop3A_322 = arith.index_cast %parallel_loop3A_321 : i32 to index
        %parallel_loop3A_323 = arith.index_cast %parallel_loop3A_295 : i32 to index
        %parallel_loop3A_324 = arith.constant 16 : index
        %parallel_loop3A_325 = tpu.vector_load %arg6[%parallel_loop3A_322, %parallel_loop3A_323, %parallel_loop3A_324] {strides = array<i32>} : memref<2x50x128xf32, #tpu.memory_space<vmem>>, vector<1x1x16xf32>,
        %parallel_loop3A_326 = vector.shape_cast %parallel_loop3A_325 : vector<1x1x16xf32> to vector<16xf32>
        %parallel_loop3A_327 = vector.shape_cast %parallel_loop3A_320 : vector<16xf32> to vector<1x1x16xf32>
        tpu.vector_store %arg6[%parallel_loop3A_322, %parallel_loop3A_323, %parallel_loop3A_324], %parallel_loop3A_327 {strides = array<i32>} : memref<2x50x128xf32, #tpu.memory_space<vmem>>, vector<1x1x16xf32>,
        %parallel_loop3A_328 = arith.constant 0 : i32
        %parallel_loop3A_329 = arith.index_cast %parallel_loop3A_328 : i32 to index
        %parallel_loop3A_330 = arith.index_cast %parallel_loop3A_295 : i32 to index
        %parallel_loop3A_331 = arith.constant 32 : index
        %parallel_loop3A_332 = tpu.vector_load %arg6[%parallel_loop3A_329, %parallel_loop3A_330, %parallel_loop3A_331] {strides = array<i32>} : memref<2x50x128xf32, #tpu.memory_space<vmem>>, vector<1x1x16xf32>,
        %parallel_loop3A_333 = vector.shape_cast %parallel_loop3A_332 : vector<1x1x16xf32> to vector<16xf32>
        %parallel_loop3A_334 = arith.constant 8.000000e+00 : f32
        %parallel_loop3A_335 = vector.broadcast %parallel_loop3A_334 : f32 to vector<16xf32>
        %parallel_loop3A_336 = arith.mulf %parallel_loop3A_333, %parallel_loop3A_335 : vector<16xf32>
        %parallel_loop3A_337 = arith.constant 0 : i32
        %parallel_loop3A_338 = arith.index_cast %parallel_loop3A_337 : i32 to index
        %parallel_loop3A_339 = arith.index_cast %parallel_loop3A_295 : i32 to index
        %parallel_loop3A_340 = arith.constant 32 : index
        %parallel_loop3A_341 = tpu.vector_load %arg6[%parallel_loop3A_338, %parallel_loop3A_339, %parallel_loop3A_340] {strides = array<i32>} : memref<2x50x128xf32, #tpu.memory_space<vmem>>, vector<1x1x16xf32>,
        %parallel_loop3A_342 = vector.shape_cast %parallel_loop3A_341 : vector<1x1x16xf32> to vector<16xf32>
        %parallel_loop3A_343 = vector.shape_cast %parallel_loop3A_336 : vector<16xf32> to vector<1x1x16xf32>
        tpu.vector_store %arg6[%parallel_loop3A_338, %parallel_loop3A_339, %parallel_loop3A_340], %parallel_loop3A_343 {strides = array<i32>} : memref<2x50x128xf32, #tpu.memory_space<vmem>>, vector<1x1x16xf32>,
        %parallel_loop3A_344 = arith.constant 0 : i32
        %parallel_loop3A_345 = arith.index_cast %parallel_loop3A_344 : i32 to index
        %parallel_loop3A_346 = arith.index_cast %parallel_loop3A_295 : i32 to index
        %parallel_loop3A_347 = arith.constant 48 : index
        %parallel_loop3A_348 = tpu.vector_load %arg6[%parallel_loop3A_345, %parallel_loop3A_346, %parallel_loop3A_347] {strides = array<i32>} : memref<2x50x128xf32, #tpu.memory_space<vmem>>, vector<1x1x16xf32>,
        %parallel_loop3A_349 = vector.shape_cast %parallel_loop3A_348 : vector<1x1x16xf32> to vector<16xf32>
        %parallel_loop3A_350 = arith.constant 8.000000e+00 : f32
        %parallel_loop3A_351 = vector.broadcast %parallel_loop3A_350 : f32 to vector<16xf32>
        %parallel_loop3A_352 = arith.mulf %parallel_loop3A_349, %parallel_loop3A_351 : vector<16xf32>
        %parallel_loop3A_353 = arith.constant 0 : i32
        %parallel_loop3A_354 = arith.index_cast %parallel_loop3A_353 : i32 to index
        %parallel_loop3A_355 = arith.index_cast %parallel_loop3A_295 : i32 to index
        %parallel_loop3A_356 = arith.constant 48 : index
        %parallel_loop3A_357 = tpu.vector_load %arg6[%parallel_loop3A_354, %parallel_loop3A_355, %parallel_loop3A_356] {strides = array<i32>} : memref<2x50x128xf32, #tpu.memory_space<vmem>>, vector<1x1x16xf32>,
        %parallel_loop3A_358 = vector.shape_cast %parallel_loop3A_357 : vector<1x1x16xf32> to vector<16xf32>
        %parallel_loop3A_359 = vector.shape_cast %parallel_loop3A_352 : vector<16xf32> to vector<1x1x16xf32>
        tpu.vector_store %arg6[%parallel_loop3A_354, %parallel_loop3A_355, %parallel_loop3A_356], %parallel_loop3A_359 {strides = array<i32>} : memref<2x50x128xf32, #tpu.memory_space<vmem>>, vector<1x1x16xf32>,
        %parallel_loop3A_360 = arith.constant 1 : i32
        %parallel_loop3A_361 = arith.index_cast %parallel_loop3A_360 : i32 to index
        %parallel_loop3A_362 = arith.index_cast %parallel_loop3A_295 : i32 to index
        %parallel_loop3A_363 = arith.constant 0 : index
        %parallel_loop3A_364 = tpu.vector_load %arg6[%parallel_loop3A_361, %parallel_loop3A_362, %parallel_loop3A_363] {strides = array<i32>} : memref<2x50x128xf32, #tpu.memory_space<vmem>>, vector<1x1x16xf32>,
        %parallel_loop3A_365 = vector.shape_cast %parallel_loop3A_364 : vector<1x1x16xf32> to vector<16xf32>
        %parallel_loop3A_366 = arith.constant 8.000000e+00 : f32
        %parallel_loop3A_367 = vector.broadcast %parallel_loop3A_366 : f32 to vector<16xf32>
        %parallel_loop3A_368 = arith.mulf %parallel_loop3A_365, %parallel_loop3A_367 : vector<16xf32>
        %parallel_loop3A_369 = arith.constant 1 : i32
        %parallel_loop3A_370 = arith.index_cast %parallel_loop3A_369 : i32 to index
        %parallel_loop3A_371 = arith.index_cast %parallel_loop3A_295 : i32 to index
        %parallel_loop3A_372 = arith.constant 0 : index
        %parallel_loop3A_373 = tpu.vector_load %arg6[%parallel_loop3A_370, %parallel_loop3A_371, %parallel_loop3A_372] {strides = array<i32>} : memref<2x50x128xf32, #tpu.memory_space<vmem>>, vector<1x1x16xf32>,
        %parallel_loop3A_374 = vector.shape_cast %parallel_loop3A_373 : vector<1x1x16xf32> to vector<16xf32>
        %parallel_loop3A_375 = vector.shape_cast %parallel_loop3A_368 : vector<16xf32> to vector<1x1x16xf32>
        tpu.vector_store %arg6[%parallel_loop3A_370, %parallel_loop3A_371, %parallel_loop3A_372], %parallel_loop3A_375 {strides = array<i32>} : memref<2x50x128xf32, #tpu.memory_space<vmem>>, vector<1x1x16xf32>,
        %parallel_loop3A_376 = arith.constant 1 : i32
        %parallel_loop3A_377 = arith.index_cast %parallel_loop3A_376 : i32 to index
        %parallel_loop3A_378 = arith.index_cast %parallel_loop3A_295 : i32 to index
        %parallel_loop3A_379 = arith.constant 16 : index
        %parallel_loop3A_380 = tpu.vector_load %arg6[%parallel_loop3A_377, %parallel_loop3A_378, %parallel_loop3A_379] {strides = array<i32>} : memref<2x50x128xf32, #tpu.memory_space<vmem>>, vector<1x1x16xf32>,
        %parallel_loop3A_381 = vector.shape_cast %parallel_loop3A_380 : vector<1x1x16xf32> to vector<16xf32>
        %parallel_loop3A_382 = arith.constant 8.000000e+00 : f32
        %parallel_loop3A_383 = vector.broadcast %parallel_loop3A_382 : f32 to vector<16xf32>
        %parallel_loop3A_384 = arith.mulf %parallel_loop3A_381, %parallel_loop3A_383 : vector<16xf32>
        %parallel_loop3A_385 = arith.constant 1 : i32
        %parallel_loop3A_386 = arith.index_cast %parallel_loop3A_385 : i32 to index
        %parallel_loop3A_387 = arith.index_cast %parallel_loop3A_295 : i32 to index
        %parallel_loop3A_388 = arith.constant 16 : index
        %parallel_loop3A_389 = tpu.vector_load %arg6[%parallel_loop3A_386, %parallel_loop3A_387, %parallel_loop3A_388] {strides = array<i32>} : memref<2x50x128xf32, #tpu.memory_space<vmem>>, vector<1x1x16xf32>,
        %parallel_loop3A_390 = vector.shape_cast %parallel_loop3A_389 : vector<1x1x16xf32> to vector<16xf32>
        %parallel_loop3A_391 = vector.shape_cast %parallel_loop3A_384 : vector<16xf32> to vector<1x1x16xf32>
        tpu.vector_store %arg6[%parallel_loop3A_386, %parallel_loop3A_387, %parallel_loop3A_388], %parallel_loop3A_391 {strides = array<i32>} : memref<2x50x128xf32, #tpu.memory_space<vmem>>, vector<1x1x16xf32>,
        %parallel_loop3A_392 = arith.constant 1 : i32
        %parallel_loop3A_393 = arith.index_cast %parallel_loop3A_392 : i32 to index
        %parallel_loop3A_394 = arith.index_cast %parallel_loop3A_295 : i32 to index
        %parallel_loop3A_395 = arith.constant 32 : index
        %parallel_loop3A_396 = tpu.vector_load %arg6[%parallel_loop3A_393, %parallel_loop3A_394, %parallel_loop3A_395] {strides = array<i32>} : memref<2x50x128xf32, #tpu.memory_space<vmem>>, vector<1x1x16xf32>,
        %parallel_loop3A_397 = vector.shape_cast %parallel_loop3A_396 : vector<1x1x16xf32> to vector<16xf32>
        %parallel_loop3A_398 = arith.constant 8.000000e+00 : f32
        %parallel_loop3A_399 = vector.broadcast %parallel_loop3A_398 : f32 to vector<16xf32>
        %parallel_loop3A_400 = arith.mulf %parallel_loop3A_397, %parallel_loop3A_399 : vector<16xf32>
        %parallel_loop3A_401 = arith.constant 1 : i32
        %parallel_loop3A_402 = arith.index_cast %parallel_loop3A_401 : i32 to index
        %parallel_loop3A_403 = arith.index_cast %parallel_loop3A_295 : i32 to index
        %parallel_loop3A_404 = arith.constant 32 : index
        %parallel_loop3A_405 = tpu.vector_load %arg6[%parallel_loop3A_402, %parallel_loop3A_403, %parallel_loop3A_404] {strides = array<i32>} : memref<2x50x128xf32, #tpu.memory_space<vmem>>, vector<1x1x16xf32>,
        %parallel_loop3A_406 = vector.shape_cast %parallel_loop3A_405 : vector<1x1x16xf32> to vector<16xf32>
        %parallel_loop3A_407 = vector.shape_cast %parallel_loop3A_400 : vector<16xf32> to vector<1x1x16xf32>
        tpu.vector_store %arg6[%parallel_loop3A_402, %parallel_loop3A_403, %parallel_loop3A_404], %parallel_loop3A_407 {strides = array<i32>} : memref<2x50x128xf32, #tpu.memory_space<vmem>>, vector<1x1x16xf32>,
        %parallel_loop3A_408 = arith.constant 1 : i32
        %parallel_loop3A_409 = arith.index_cast %parallel_loop3A_408 : i32 to index
        %parallel_loop3A_410 = arith.index_cast %parallel_loop3A_295 : i32 to index
        %parallel_loop3A_411 = arith.constant 48 : index
        %parallel_loop3A_412 = tpu.vector_load %arg6[%parallel_loop3A_409, %parallel_loop3A_410, %parallel_loop3A_411] {strides = array<i32>} : memref<2x50x128xf32, #tpu.memory_space<vmem>>, vector<1x1x16xf32>,
        %parallel_loop3A_413 = vector.shape_cast %parallel_loop3A_412 : vector<1x1x16xf32> to vector<16xf32>
        %parallel_loop3A_414 = arith.constant 8.000000e+00 : f32
        %parallel_loop3A_415 = vector.broadcast %parallel_loop3A_414 : f32 to vector<16xf32>
        %parallel_loop3A_416 = arith.mulf %parallel_loop3A_413, %parallel_loop3A_415 : vector<16xf32>
        %parallel_loop3A_417 = arith.constant 1 : i32
        %parallel_loop3A_418 = arith.index_cast %parallel_loop3A_417 : i32 to index
        %parallel_loop3A_419 = arith.index_cast %parallel_loop3A_295 : i32 to index
        %parallel_loop3A_420 = arith.constant 48 : index
        %parallel_loop3A_421 = tpu.vector_load %arg6[%parallel_loop3A_418, %parallel_loop3A_419, %parallel_loop3A_420] {strides = array<i32>} : memref<2x50x128xf32, #tpu.memory_space<vmem>>, vector<1x1x16xf32>,
        %parallel_loop3A_422 = vector.shape_cast %parallel_loop3A_421 : vector<1x1x16xf32> to vector<16xf32>
        %parallel_loop3A_423 = vector.shape_cast %parallel_loop3A_416 : vector<16xf32> to vector<1x1x16xf32>
        tpu.vector_store %arg6[%parallel_loop3A_418, %parallel_loop3A_419, %parallel_loop3A_420], %parallel_loop3A_423 {strides = array<i32>} : memref<2x50x128xf32, #tpu.memory_space<vmem>>, vector<1x1x16xf32>,
      } {sc.loop_unroll_factor = 2 : i64, sc.parallel_access}
      %mul3A_127 = arith.constant 2 : i32
      %mul3A_128 = arith.muli %add3A_90, %mul3A_127 : i32
      %add3A_129 = arith.addi %mul3A_2, %mul3A_128 : i32
      %dma_start3A_130 = arith.constant 0 : i32
      %dma_start3A_131 = arith.constant 0 : i32
      %dma_start3A_132 = tpu.memref_slice %arg4[%add3A_129, %dma_start3A_130, %dma_start3A_131] : memref<4096x50x128xf32, #tpu.memory_space<hbm>> -> memref<2x50x128xf32, #tpu.memory_space<hbm>>
      %dma_start3A_133 = arith.constant 0 : i32
      %dma_start3A_134 = arith.constant 0 : i32
      %dma_start3A_135 = tpu.memref_slice %arg4[%add3A_129, %dma_start3A_133, %dma_start3A_134] : memref<4096x50x128xf32, #tpu.memory_space<hbm>> -> memref<2x50x128xf32, #tpu.memory_space<hbm>>
      tpu.enqueue_dma source(%arg6 : memref<2x50x128xf32, #tpu.memory_space<vmem>>) target(%dma_start3A_135 : memref<2x50x128xf32, #tpu.memory_space<hbm>>) target_semaphore(%arg14 : memref<!tpu.dma_semaphore, #tpu.memory_space<semaphore_mem>>)
      %mul3A_136 = arith.constant 4 : i32
      %mul3A_137 = arith.muli %mul3A_136, %scan3A_86 : i32
      %add3A_138 = arith.constant 1 : i32
      %add3A_139 = arith.addi %mul3A_137, %add3A_138 : i32
      %add3A_140 = arith.constant 2 : i32
      %add3A_141 = arith.addi %add3A_139, %add3A_140 : i32
      %lt3A_142 = arith.constant 64 : i32
      %lt3A_143 = arith.cmpi slt, %add3A_141, %lt3A_142 : i32
      %convert_element_type3A_144 = arith.extui %lt3A_143 : i1 to i32
      %cond3A_145 = arith.constant 0 : i32
      %cond3A_146 = arith.cmpi ne, %convert_element_type3A_144, %cond3A_145 : i32
      scf.if %cond3A_146 {
        %ge3A = arith.constant 2 : i32
        %ge3A_295 = arith.cmpi sge, %add3A_139, %ge3A : i32
        %convert_element_type3A_296 = arith.extui %ge3A_295 : i1 to i32
        %cond3A_297 = arith.constant 0 : i32
        %cond3A_298 = arith.cmpi ne, %convert_element_type3A_296, %cond3A_297 : i32
        scf.if %cond3A_298 {
          %sub3A = arith.constant 2 : i32
          %sub3A_331 = arith.subi %add3A_139, %sub3A : i32
          %mul3A_332 = arith.constant 2 : i32
          %mul3A_333 = arith.muli %sub3A_331, %mul3A_332 : i32
          %add3A_334 = arith.addi %mul3A_2, %mul3A_333 : i32
          %dma_wait3A_335 = arith.constant 0 : i32
          %dma_wait3A_336 = arith.constant 0 : i32
          %dma_wait3A_337 = tpu.memref_slice %arg4[%add3A_334, %dma_wait3A_335, %dma_wait3A_336] : memref<4096x50x128xf32, #tpu.memory_space<hbm>> -> memref<2x50x128xf32, #tpu.memory_space<hbm>>
          %dma_wait3A_338 = arith.constant 0 : i32
          %dma_wait3A_339 = arith.constant 0 : i32
          %dma_wait3A_340 = tpu.memref_slice %arg4[%add3A_334, %dma_wait3A_338, %dma_wait3A_339] : memref<4096x50x128xf32, #tpu.memory_space<hbm>> -> memref<2x50x128xf32, #tpu.memory_space<hbm>>
          tpu.wait_dma2 semaphore(%arg17 : memref<!tpu.dma_semaphore, #tpu.memory_space<semaphore_mem>>) src(%arg9 : memref<2x50x128xf32, #tpu.memory_space<vmem>>) dst(%dma_wait3A_340 : memref<2x50x128xf32, #tpu.memory_space<hbm>>)
        } else {
        }
        %add3A_299 = arith.constant 2 : i32
        %add3A_300 = arith.addi %add3A_139, %add3A_299 : i32
        %mul3A_301 = arith.constant 2 : i32
        %mul3A_302 = arith.muli %add3A_300, %mul3A_301 : i32
        %add3A_303 = arith.constant 0 : i32
        %add3A_304 = arith.addi %mul3A_302, %add3A_303 : i32
        %dma_start3A_305 = arith.constant 0 : i32
        %dma_start3A_306 = arith.constant 0 : i32
        %dma_start3A_307 = arith.constant 0 : i32
        %dma_start3A_308 = tpu.memref_slice %arg9[%dma_start3A_305, %dma_start3A_306, %dma_start3A_307] : memref<2x50x128xf32, #tpu.memory_space<vmem>> -> memref<1x50x128xf32, #tpu.memory_space<vmem>>
        %dma_start3A_309 = tpu.memref_squeeze %dma_start3A_308 : memref<1x50x128xf32, #tpu.memory_space<vmem>> -> memref<50x128xf32, #tpu.memory_space<vmem>>
        %dma_start3A_310 = arith.constant 0 : i32
        %dma_start3A_311 = tpu.memref_slice %arg5[%add3A_304, %dma_start3A_310] : memref<128x50xi32, #tpu.memory_space<vmem>> -> memref<1x50xi32, #tpu.memory_space<vmem>>
        %dma_start3A_312 = tpu.memref_squeeze %dma_start3A_311 : memref<1x50xi32, #tpu.memory_space<vmem>> -> memref<50xi32, #tpu.memory_space<vmem>>
        %dma_start3A_313 = arith.constant 0 : i32
        %dma_start3A_314 = arith.constant 0 : i32
        %dma_start3A_315 = tpu.memref_slice %arg2[%dma_start3A_313, %dma_start3A_314] : memref<100000x128xf32, #tpu.memory_space<hbm>> -> memref<100000x128xf32, #tpu.memory_space<hbm>>
        tpu.enqueue_indirect_dma source(%dma_start3A_315 : memref<100000x128xf32, #tpu.memory_space<hbm>>) target(%dma_start3A_309 : memref<50x128xf32, #tpu.memory_space<vmem>>) offsets(%dma_start3A_312 : memref<50xi32, #tpu.memory_space<vmem>>) semaphore(%arg13 : memref<!tpu.dma_semaphore, #tpu.memory_space<semaphore_mem>>)
        %mul3A_316 = arith.constant 2 : i32
        %mul3A_317 = arith.muli %add3A_300, %mul3A_316 : i32
        %add3A_318 = arith.constant 1 : i32
        %add3A_319 = arith.addi %mul3A_317, %add3A_318 : i32
        %dma_start3A_320 = arith.constant 1 : i32
        %dma_start3A_321 = arith.constant 0 : i32
        %dma_start3A_322 = arith.constant 0 : i32
        %dma_start3A_323 = tpu.memref_slice %arg9[%dma_start3A_320, %dma_start3A_321, %dma_start3A_322] : memref<2x50x128xf32, #tpu.memory_space<vmem>> -> memref<1x50x128xf32, #tpu.memory_space<vmem>>
        %dma_start3A_324 = tpu.memref_squeeze %dma_start3A_323 : memref<1x50x128xf32, #tpu.memory_space<vmem>> -> memref<50x128xf32, #tpu.memory_space<vmem>>
        %dma_start3A_325 = arith.constant 0 : i32
        %dma_start3A_326 = tpu.memref_slice %arg5[%add3A_319, %dma_start3A_325] : memref<128x50xi32, #tpu.memory_space<vmem>> -> memref<1x50xi32, #tpu.memory_space<vmem>>
        %dma_start3A_327 = tpu.memref_squeeze %dma_start3A_326 : memref<1x50xi32, #tpu.memory_space<vmem>> -> memref<50xi32, #tpu.memory_space<vmem>>
        %dma_start3A_328 = arith.constant 0 : i32
        %dma_start3A_329 = arith.constant 0 : i32
        %dma_start3A_330 = tpu.memref_slice %arg2[%dma_start3A_328, %dma_start3A_329] : memref<100000x128xf32, #tpu.memory_space<hbm>> -> memref<100000x128xf32, #tpu.memory_space<hbm>>
        tpu.enqueue_indirect_dma source(%dma_start3A_330 : memref<100000x128xf32, #tpu.memory_space<hbm>>) target(%dma_start3A_324 : memref<50x128xf32, #tpu.memory_space<vmem>>) offsets(%dma_start3A_327 : memref<50xi32, #tpu.memory_space<vmem>>) semaphore(%arg13 : memref<!tpu.dma_semaphore, #tpu.memory_space<semaphore_mem>>)
      } else {
      }
      %mul3A_147 = arith.constant 2 : i32
      %mul3A_148 = arith.muli %add3A_139, %mul3A_147 : i32
      %add3A_149 = arith.constant 0 : i32
      %add3A_150 = arith.addi %mul3A_148, %add3A_149 : i32
      %dma_wait3A_151 = arith.constant 0 : i32
      %dma_wait3A_152 = arith.constant 0 : i32
      %dma_wait3A_153 = arith.constant 0 : i32
      %dma_wait3A_154 = tpu.memref_slice %arg7[%dma_wait3A_151, %dma_wait3A_152, %dma_wait3A_153] : memref<2x50x128xf32, #tpu.memory_space<vmem>> -> memref<1x50x128xf32, #tpu.memory_space<vmem>>
      %dma_wait3A_155 = tpu.memref_squeeze %dma_wait3A_154 : memref<1x50x128xf32, #tpu.memory_space<vmem>> -> memref<50x128xf32, #tpu.memory_space<vmem>>
      %dma_wait3A_156 = arith.constant 0 : i32
      %dma_wait3A_157 = tpu.memref_slice %arg5[%add3A_150, %dma_wait3A_156] : memref<128x50xi32, #tpu.memory_space<vmem>> -> memref<1x50xi32, #tpu.memory_space<vmem>>
      %dma_wait3A_158 = tpu.memref_squeeze %dma_wait3A_157 : memref<1x50xi32, #tpu.memory_space<vmem>> -> memref<50xi32, #tpu.memory_space<vmem>>
      %dma_wait3A_159 = arith.constant 0 : i32
      %dma_wait3A_160 = arith.constant 0 : i32
      %dma_wait3A_161 = tpu.memref_slice %arg2[%dma_wait3A_159, %dma_wait3A_160] : memref<100000x128xf32, #tpu.memory_space<hbm>> -> memref<100000x128xf32, #tpu.memory_space<hbm>>
      tpu.wait_indirect_dma semaphore(%arg11 : memref<!tpu.dma_semaphore, #tpu.memory_space<semaphore_mem>>) src(%dma_wait3A_161 : memref<100000x128xf32, #tpu.memory_space<hbm>>) dst(%dma_wait3A_155 : memref<50x128xf32, #tpu.memory_space<vmem>>)
      %mul3A_162 = arith.constant 2 : i32
      %mul3A_163 = arith.muli %add3A_139, %mul3A_162 : i32
      %add3A_164 = arith.constant 1 : i32
      %add3A_165 = arith.addi %mul3A_163, %add3A_164 : i32
      %dma_wait3A_166 = arith.constant 1 : i32
      %dma_wait3A_167 = arith.constant 0 : i32
      %dma_wait3A_168 = arith.constant 0 : i32
      %dma_wait3A_169 = tpu.memref_slice %arg7[%dma_wait3A_166, %dma_wait3A_167, %dma_wait3A_168] : memref<2x50x128xf32, #tpu.memory_space<vmem>> -> memref<1x50x128xf32, #tpu.memory_space<vmem>>
      %dma_wait3A_170 = tpu.memref_squeeze %dma_wait3A_169 : memref<1x50x128xf32, #tpu.memory_space<vmem>> -> memref<50x128xf32, #tpu.memory_space<vmem>>
      %dma_wait3A_171 = arith.constant 0 : i32
      %dma_wait3A_172 = tpu.memref_slice %arg5[%add3A_165, %dma_wait3A_171] : memref<128x50xi32, #tpu.memory_space<vmem>> -> memref<1x50xi32, #tpu.memory_space<vmem>>
      %dma_wait3A_173 = tpu.memref_squeeze %dma_wait3A_172 : memref<1x50xi32, #tpu.memory_space<vmem>> -> memref<50xi32, #tpu.memory_space<vmem>>
      %dma_wait3A_174 = arith.constant 0 : i32
      %dma_wait3A_175 = arith.constant 0 : i32
      %dma_wait3A_176 = tpu.memref_slice %arg2[%dma_wait3A_174, %dma_wait3A_175] : memref<100000x128xf32, #tpu.memory_space<hbm>> -> memref<100000x128xf32, #tpu.memory_space<hbm>>
      tpu.wait_indirect_dma semaphore(%arg11 : memref<!tpu.dma_semaphore, #tpu.memory_space<semaphore_mem>>) src(%dma_wait3A_176 : memref<100000x128xf32, #tpu.memory_space<hbm>>) dst(%dma_wait3A_170 : memref<50x128xf32, #tpu.memory_space<vmem>>)
      %parallel_loop3A_177 = arith.constant 0 : i32
      %parallel_loop3A_178 = arith.constant 50 : i32
      %parallel_loop3A_179 = arith.constant 1 : i32
      scf.for %parallel_loop3A_295 = %parallel_loop3A_177 to %parallel_loop3A_178 step %parallel_loop3A_179  : i32 {
        %parallel_loop3A_296 = arith.constant 0 : i32
        %parallel_loop3A_297 = arith.index_cast %parallel_loop3A_296 : i32 to index
        %parallel_loop3A_298 = arith.index_cast %parallel_loop3A_295 : i32 to index
        %parallel_loop3A_299 = arith.constant 0 : index
        %parallel_loop3A_300 = tpu.vector_load %arg7[%parallel_loop3A_297, %parallel_loop3A_298, %parallel_loop3A_299] {strides = array<i32>} : memref<2x50x128xf32, #tpu.memory_space<vmem>>, vector<1x1x16xf32>,
        %parallel_loop3A_301 = vector.shape_cast %parallel_loop3A_300 : vector<1x1x16xf32> to vector<16xf32>
        %parallel_loop3A_302 = arith.constant 8.000000e+00 : f32
        %parallel_loop3A_303 = vector.broadcast %parallel_loop3A_302 : f32 to vector<16xf32>
        %parallel_loop3A_304 = arith.mulf %parallel_loop3A_301, %parallel_loop3A_303 : vector<16xf32>
        %parallel_loop3A_305 = arith.constant 0 : i32
        %parallel_loop3A_306 = arith.index_cast %parallel_loop3A_305 : i32 to index
        %parallel_loop3A_307 = arith.index_cast %parallel_loop3A_295 : i32 to index
        %parallel_loop3A_308 = arith.constant 0 : index
        %parallel_loop3A_309 = tpu.vector_load %arg7[%parallel_loop3A_306, %parallel_loop3A_307, %parallel_loop3A_308] {strides = array<i32>} : memref<2x50x128xf32, #tpu.memory_space<vmem>>, vector<1x1x16xf32>,
        %parallel_loop3A_310 = vector.shape_cast %parallel_loop3A_309 : vector<1x1x16xf32> to vector<16xf32>
        %parallel_loop3A_311 = vector.shape_cast %parallel_loop3A_304 : vector<16xf32> to vector<1x1x16xf32>
        tpu.vector_store %arg7[%parallel_loop3A_306, %parallel_loop3A_307, %parallel_loop3A_308], %parallel_loop3A_311 {strides = array<i32>} : memref<2x50x128xf32, #tpu.memory_space<vmem>>, vector<1x1x16xf32>,
        %parallel_loop3A_312 = arith.constant 0 : i32
        %parallel_loop3A_313 = arith.index_cast %parallel_loop3A_312 : i32 to index
        %parallel_loop3A_314 = arith.index_cast %parallel_loop3A_295 : i32 to index
        %parallel_loop3A_315 = arith.constant 16 : index
        %parallel_loop3A_316 = tpu.vector_load %arg7[%parallel_loop3A_313, %parallel_loop3A_314, %parallel_loop3A_315] {strides = array<i32>} : memref<2x50x128xf32, #tpu.memory_space<vmem>>, vector<1x1x16xf32>,
        %parallel_loop3A_317 = vector.shape_cast %parallel_loop3A_316 : vector<1x1x16xf32> to vector<16xf32>
        %parallel_loop3A_318 = arith.constant 8.000000e+00 : f32
        %parallel_loop3A_319 = vector.broadcast %parallel_loop3A_318 : f32 to vector<16xf32>
        %parallel_loop3A_320 = arith.mulf %parallel_loop3A_317, %parallel_loop3A_319 : vector<16xf32>
        %parallel_loop3A_321 = arith.constant 0 : i32
        %parallel_loop3A_322 = arith.index_cast %parallel_loop3A_321 : i32 to index
        %parallel_loop3A_323 = arith.index_cast %parallel_loop3A_295 : i32 to index
        %parallel_loop3A_324 = arith.constant 16 : index
        %parallel_loop3A_325 = tpu.vector_load %arg7[%parallel_loop3A_322, %parallel_loop3A_323, %parallel_loop3A_324] {strides = array<i32>} : memref<2x50x128xf32, #tpu.memory_space<vmem>>, vector<1x1x16xf32>,
        %parallel_loop3A_326 = vector.shape_cast %parallel_loop3A_325 : vector<1x1x16xf32> to vector<16xf32>
        %parallel_loop3A_327 = vector.shape_cast %parallel_loop3A_320 : vector<16xf32> to vector<1x1x16xf32>
        tpu.vector_store %arg7[%parallel_loop3A_322, %parallel_loop3A_323, %parallel_loop3A_324], %parallel_loop3A_327 {strides = array<i32>} : memref<2x50x128xf32, #tpu.memory_space<vmem>>, vector<1x1x16xf32>,
        %parallel_loop3A_328 = arith.constant 0 : i32
        %parallel_loop3A_329 = arith.index_cast %parallel_loop3A_328 : i32 to index
        %parallel_loop3A_330 = arith.index_cast %parallel_loop3A_295 : i32 to index
        %parallel_loop3A_331 = arith.constant 32 : index
        %parallel_loop3A_332 = tpu.vector_load %arg7[%parallel_loop3A_329, %parallel_loop3A_330, %parallel_loop3A_331] {strides = array<i32>} : memref<2x50x128xf32, #tpu.memory_space<vmem>>, vector<1x1x16xf32>,
        %parallel_loop3A_333 = vector.shape_cast %parallel_loop3A_332 : vector<1x1x16xf32> to vector<16xf32>
        %parallel_loop3A_334 = arith.constant 8.000000e+00 : f32
        %parallel_loop3A_335 = vector.broadcast %parallel_loop3A_334 : f32 to vector<16xf32>
        %parallel_loop3A_336 = arith.mulf %parallel_loop3A_333, %parallel_loop3A_335 : vector<16xf32>
        %parallel_loop3A_337 = arith.constant 0 : i32
        %parallel_loop3A_338 = arith.index_cast %parallel_loop3A_337 : i32 to index
        %parallel_loop3A_339 = arith.index_cast %parallel_loop3A_295 : i32 to index
        %parallel_loop3A_340 = arith.constant 32 : index
        %parallel_loop3A_341 = tpu.vector_load %arg7[%parallel_loop3A_338, %parallel_loop3A_339, %parallel_loop3A_340] {strides = array<i32>} : memref<2x50x128xf32, #tpu.memory_space<vmem>>, vector<1x1x16xf32>,
        %parallel_loop3A_342 = vector.shape_cast %parallel_loop3A_341 : vector<1x1x16xf32> to vector<16xf32>
        %parallel_loop3A_343 = vector.shape_cast %parallel_loop3A_336 : vector<16xf32> to vector<1x1x16xf32>
        tpu.vector_store %arg7[%parallel_loop3A_338, %parallel_loop3A_339, %parallel_loop3A_340], %parallel_loop3A_343 {strides = array<i32>} : memref<2x50x128xf32, #tpu.memory_space<vmem>>, vector<1x1x16xf32>,
        %parallel_loop3A_344 = arith.constant 0 : i32
        %parallel_loop3A_345 = arith.index_cast %parallel_loop3A_344 : i32 to index
        %parallel_loop3A_346 = arith.index_cast %parallel_loop3A_295 : i32 to index
        %parallel_loop3A_347 = arith.constant 48 : index
        %parallel_loop3A_348 = tpu.vector_load %arg7[%parallel_loop3A_345, %parallel_loop3A_346, %parallel_loop3A_347] {strides = array<i32>} : memref<2x50x128xf32, #tpu.memory_space<vmem>>, vector<1x1x16xf32>,
        %parallel_loop3A_349 = vector.shape_cast %parallel_loop3A_348 : vector<1x1x16xf32> to vector<16xf32>
        %parallel_loop3A_350 = arith.constant 8.000000e+00 : f32
        %parallel_loop3A_351 = vector.broadcast %parallel_loop3A_350 : f32 to vector<16xf32>
        %parallel_loop3A_352 = arith.mulf %parallel_loop3A_349, %parallel_loop3A_351 : vector<16xf32>
        %parallel_loop3A_353 = arith.constant 0 : i32
        %parallel_loop3A_354 = arith.index_cast %parallel_loop3A_353 : i32 to index
        %parallel_loop3A_355 = arith.index_cast %parallel_loop3A_295 : i32 to index
        %parallel_loop3A_356 = arith.constant 48 : index
        %parallel_loop3A_357 = tpu.vector_load %arg7[%parallel_loop3A_354, %parallel_loop3A_355, %parallel_loop3A_356] {strides = array<i32>} : memref<2x50x128xf32, #tpu.memory_space<vmem>>, vector<1x1x16xf32>,
        %parallel_loop3A_358 = vector.shape_cast %parallel_loop3A_357 : vector<1x1x16xf32> to vector<16xf32>
        %parallel_loop3A_359 = vector.shape_cast %parallel_loop3A_352 : vector<16xf32> to vector<1x1x16xf32>
        tpu.vector_store %arg7[%parallel_loop3A_354, %parallel_loop3A_355, %parallel_loop3A_356], %parallel_loop3A_359 {strides = array<i32>} : memref<2x50x128xf32, #tpu.memory_space<vmem>>, vector<1x1x16xf32>,
        %parallel_loop3A_360 = arith.constant 1 : i32
        %parallel_loop3A_361 = arith.index_cast %parallel_loop3A_360 : i32 to index
        %parallel_loop3A_362 = arith.index_cast %parallel_loop3A_295 : i32 to index
        %parallel_loop3A_363 = arith.constant 0 : index
        %parallel_loop3A_364 = tpu.vector_load %arg7[%parallel_loop3A_361, %parallel_loop3A_362, %parallel_loop3A_363] {strides = array<i32>} : memref<2x50x128xf32, #tpu.memory_space<vmem>>, vector<1x1x16xf32>,
        %parallel_loop3A_365 = vector.shape_cast %parallel_loop3A_364 : vector<1x1x16xf32> to vector<16xf32>
        %parallel_loop3A_366 = arith.constant 8.000000e+00 : f32
        %parallel_loop3A_367 = vector.broadcast %parallel_loop3A_366 : f32 to vector<16xf32>
        %parallel_loop3A_368 = arith.mulf %parallel_loop3A_365, %parallel_loop3A_367 : vector<16xf32>
        %parallel_loop3A_369 = arith.constant 1 : i32
        %parallel_loop3A_370 = arith.index_cast %parallel_loop3A_369 : i32 to index
        %parallel_loop3A_371 = arith.index_cast %parallel_loop3A_295 : i32 to index
        %parallel_loop3A_372 = arith.constant 0 : index
        %parallel_loop3A_373 = tpu.vector_load %arg7[%parallel_loop3A_370, %parallel_loop3A_371, %parallel_loop3A_372] {strides = array<i32>} : memref<2x50x128xf32, #tpu.memory_space<vmem>>, vector<1x1x16xf32>,
        %parallel_loop3A_374 = vector.shape_cast %parallel_loop3A_373 : vector<1x1x16xf32> to vector<16xf32>
        %parallel_loop3A_375 = vector.shape_cast %parallel_loop3A_368 : vector<16xf32> to vector<1x1x16xf32>
        tpu.vector_store %arg7[%parallel_loop3A_370, %parallel_loop3A_371, %parallel_loop3A_372], %parallel_loop3A_375 {strides = array<i32>} : memref<2x50x128xf32, #tpu.memory_space<vmem>>, vector<1x1x16xf32>,
        %parallel_loop3A_376 = arith.constant 1 : i32
        %parallel_loop3A_377 = arith.index_cast %parallel_loop3A_376 : i32 to index
        %parallel_loop3A_378 = arith.index_cast %parallel_loop3A_295 : i32 to index
        %parallel_loop3A_379 = arith.constant 16 : index
        %parallel_loop3A_380 = tpu.vector_load %arg7[%parallel_loop3A_377, %parallel_loop3A_378, %parallel_loop3A_379] {strides = array<i32>} : memref<2x50x128xf32, #tpu.memory_space<vmem>>, vector<1x1x16xf32>,
        %parallel_loop3A_381 = vector.shape_cast %parallel_loop3A_380 : vector<1x1x16xf32> to vector<16xf32>
        %parallel_loop3A_382 = arith.constant 8.000000e+00 : f32
        %parallel_loop3A_383 = vector.broadcast %parallel_loop3A_382 : f32 to vector<16xf32>
        %parallel_loop3A_384 = arith.mulf %parallel_loop3A_381, %parallel_loop3A_383 : vector<16xf32>
        %parallel_loop3A_385 = arith.constant 1 : i32
        %parallel_loop3A_386 = arith.index_cast %parallel_loop3A_385 : i32 to index
        %parallel_loop3A_387 = arith.index_cast %parallel_loop3A_295 : i32 to index
        %parallel_loop3A_388 = arith.constant 16 : index
        %parallel_loop3A_389 = tpu.vector_load %arg7[%parallel_loop3A_386, %parallel_loop3A_387, %parallel_loop3A_388] {strides = array<i32>} : memref<2x50x128xf32, #tpu.memory_space<vmem>>, vector<1x1x16xf32>,
        %parallel_loop3A_390 = vector.shape_cast %parallel_loop3A_389 : vector<1x1x16xf32> to vector<16xf32>
        %parallel_loop3A_391 = vector.shape_cast %parallel_loop3A_384 : vector<16xf32> to vector<1x1x16xf32>
        tpu.vector_store %arg7[%parallel_loop3A_386, %parallel_loop3A_387, %parallel_loop3A_388], %parallel_loop3A_391 {strides = array<i32>} : memref<2x50x128xf32, #tpu.memory_space<vmem>>, vector<1x1x16xf32>,
        %parallel_loop3A_392 = arith.constant 1 : i32
        %parallel_loop3A_393 = arith.index_cast %parallel_loop3A_392 : i32 to index
        %parallel_loop3A_394 = arith.index_cast %parallel_loop3A_295 : i32 to index
        %parallel_loop3A_395 = arith.constant 32 : index
        %parallel_loop3A_396 = tpu.vector_load %arg7[%parallel_loop3A_393, %parallel_loop3A_394, %parallel_loop3A_395] {strides = array<i32>} : memref<2x50x128xf32, #tpu.memory_space<vmem>>, vector<1x1x16xf32>,
        %parallel_loop3A_397 = vector.shape_cast %parallel_loop3A_396 : vector<1x1x16xf32> to vector<16xf32>
        %parallel_loop3A_398 = arith.constant 8.000000e+00 : f32
        %parallel_loop3A_399 = vector.broadcast %parallel_loop3A_398 : f32 to vector<16xf32>
        %parallel_loop3A_400 = arith.mulf %parallel_loop3A_397, %parallel_loop3A_399 : vector<16xf32>
        %parallel_loop3A_401 = arith.constant 1 : i32
        %parallel_loop3A_402 = arith.index_cast %parallel_loop3A_401 : i32 to index
        %parallel_loop3A_403 = arith.index_cast %parallel_loop3A_295 : i32 to index
        %parallel_loop3A_404 = arith.constant 32 : index
        %parallel_loop3A_405 = tpu.vector_load %arg7[%parallel_loop3A_402, %parallel_loop3A_403, %parallel_loop3A_404] {strides = array<i32>} : memref<2x50x128xf32, #tpu.memory_space<vmem>>, vector<1x1x16xf32>,
        %parallel_loop3A_406 = vector.shape_cast %parallel_loop3A_405 : vector<1x1x16xf32> to vector<16xf32>
        %parallel_loop3A_407 = vector.shape_cast %parallel_loop3A_400 : vector<16xf32> to vector<1x1x16xf32>
        tpu.vector_store %arg7[%parallel_loop3A_402, %parallel_loop3A_403, %parallel_loop3A_404], %parallel_loop3A_407 {strides = array<i32>} : memref<2x50x128xf32, #tpu.memory_space<vmem>>, vector<1x1x16xf32>,
        %parallel_loop3A_408 = arith.constant 1 : i32
        %parallel_loop3A_409 = arith.index_cast %parallel_loop3A_408 : i32 to index
        %parallel_loop3A_410 = arith.index_cast %parallel_loop3A_295 : i32 to index
        %parallel_loop3A_411 = arith.constant 48 : index
        %parallel_loop3A_412 = tpu.vector_load %arg7[%parallel_loop3A_409, %parallel_loop3A_410, %parallel_loop3A_411] {strides = array<i32>} : memref<2x50x128xf32, #tpu.memory_space<vmem>>, vector<1x1x16xf32>,
        %parallel_loop3A_413 = vector.shape_cast %parallel_loop3A_412 : vector<1x1x16xf32> to vector<16xf32>
        %parallel_loop3A_414 = arith.constant 8.000000e+00 : f32
        %parallel_loop3A_415 = vector.broadcast %parallel_loop3A_414 : f32 to vector<16xf32>
        %parallel_loop3A_416 = arith.mulf %parallel_loop3A_413, %parallel_loop3A_415 : vector<16xf32>
        %parallel_loop3A_417 = arith.constant 1 : i32
        %parallel_loop3A_418 = arith.index_cast %parallel_loop3A_417 : i32 to index
        %parallel_loop3A_419 = arith.index_cast %parallel_loop3A_295 : i32 to index
        %parallel_loop3A_420 = arith.constant 48 : index
        %parallel_loop3A_421 = tpu.vector_load %arg7[%parallel_loop3A_418, %parallel_loop3A_419, %parallel_loop3A_420] {strides = array<i32>} : memref<2x50x128xf32, #tpu.memory_space<vmem>>, vector<1x1x16xf32>,
        %parallel_loop3A_422 = vector.shape_cast %parallel_loop3A_421 : vector<1x1x16xf32> to vector<16xf32>
        %parallel_loop3A_423 = vector.shape_cast %parallel_loop3A_416 : vector<16xf32> to vector<1x1x16xf32>
        tpu.vector_store %arg7[%parallel_loop3A_418, %parallel_loop3A_419, %parallel_loop3A_420], %parallel_loop3A_423 {strides = array<i32>} : memref<2x50x128xf32, #tpu.memory_space<vmem>>, vector<1x1x16xf32>,
      } {sc.loop_unroll_factor = 2 : i64, sc.parallel_access}
      %mul3A_180 = arith.constant 2 : i32
      %mul3A_181 = arith.muli %add3A_139, %mul3A_180 : i32
      %add3A_182 = arith.addi %mul3A_2, %mul3A_181 : i32
      %dma_start3A_183 = arith.constant 0 : i32
      %dma_start3A_184 = arith.constant 0 : i32
      %dma_start3A_185 = tpu.memref_slice %arg4[%add3A_182, %dma_start3A_183, %dma_start3A_184] : memref<4096x50x128xf32, #tpu.memory_space<hbm>> -> memref<2x50x128xf32, #tpu.memory_space<hbm>>
      %dma_start3A_186 = arith.constant 0 : i32
      %dma_start3A_187 = arith.constant 0 : i32
      %dma_start3A_188 = tpu.memref_slice %arg4[%add3A_182, %dma_start3A_186, %dma_start3A_187] : memref<4096x50x128xf32, #tpu.memory_space<hbm>> -> memref<2x50x128xf32, #tpu.memory_space<hbm>>
      tpu.enqueue_dma source(%arg7 : memref<2x50x128xf32, #tpu.memory_space<vmem>>) target(%dma_start3A_188 : memref<2x50x128xf32, #tpu.memory_space<hbm>>) target_semaphore(%arg15 : memref<!tpu.dma_semaphore, #tpu.memory_space<semaphore_mem>>)
      %mul3A_189 = arith.constant 4 : i32
      %mul3A_190 = arith.muli %mul3A_189, %scan3A_86 : i32
      %add3A_191 = arith.constant 2 : i32
      %add3A_192 = arith.addi %mul3A_190, %add3A_191 : i32
      %add3A_193 = arith.constant 2 : i32
      %add3A_194 = arith.addi %add3A_192, %add3A_193 : i32
      %lt3A_195 = arith.constant 64 : i32
      %lt3A_196 = arith.cmpi slt, %add3A_194, %lt3A_195 : i32
      %convert_element_type3A_197 = arith.extui %lt3A_196 : i1 to i32
      %cond3A_198 = arith.constant 0 : i32
      %cond3A_199 = arith.cmpi ne, %convert_element_type3A_197, %cond3A_198 : i32
      scf.if %cond3A_199 {
        %ge3A = arith.constant 2 : i32
        %ge3A_295 = arith.cmpi sge, %add3A_192, %ge3A : i32
        %convert_element_type3A_296 = arith.extui %ge3A_295 : i1 to i32
        %cond3A_297 = arith.constant 0 : i32
        %cond3A_298 = arith.cmpi ne, %convert_element_type3A_296, %cond3A_297 : i32
        scf.if %cond3A_298 {
          %sub3A = arith.constant 2 : i32
          %sub3A_331 = arith.subi %add3A_192, %sub3A : i32
          %mul3A_332 = arith.constant 2 : i32
          %mul3A_333 = arith.muli %sub3A_331, %mul3A_332 : i32
          %add3A_334 = arith.addi %mul3A_2, %mul3A_333 : i32
          %dma_wait3A_335 = arith.constant 0 : i32
          %dma_wait3A_336 = arith.constant 0 : i32
          %dma_wait3A_337 = tpu.memref_slice %arg4[%add3A_334, %dma_wait3A_335, %dma_wait3A_336] : memref<4096x50x128xf32, #tpu.memory_space<hbm>> -> memref<2x50x128xf32, #tpu.memory_space<hbm>>
          %dma_wait3A_338 = arith.constant 0 : i32
          %dma_wait3A_339 = arith.constant 0 : i32
          %dma_wait3A_340 = tpu.memref_slice %arg4[%add3A_334, %dma_wait3A_338, %dma_wait3A_339] : memref<4096x50x128xf32, #tpu.memory_space<hbm>> -> memref<2x50x128xf32, #tpu.memory_space<hbm>>
          tpu.wait_dma2 semaphore(%arg14 : memref<!tpu.dma_semaphore, #tpu.memory_space<semaphore_mem>>) src(%arg6 : memref<2x50x128xf32, #tpu.memory_space<vmem>>) dst(%dma_wait3A_340 : memref<2x50x128xf32, #tpu.memory_space<hbm>>)
        } else {
        }
        %add3A_299 = arith.constant 2 : i32
        %add3A_300 = arith.addi %add3A_192, %add3A_299 : i32
        %mul3A_301 = arith.constant 2 : i32
        %mul3A_302 = arith.muli %add3A_300, %mul3A_301 : i32
        %add3A_303 = arith.constant 0 : i32
        %add3A_304 = arith.addi %mul3A_302, %add3A_303 : i32
        %dma_start3A_305 = arith.constant 0 : i32
        %dma_start3A_306 = arith.constant 0 : i32
        %dma_start3A_307 = arith.constant 0 : i32
        %dma_start3A_308 = tpu.memref_slice %arg6[%dma_start3A_305, %dma_start3A_306, %dma_start3A_307] : memref<2x50x128xf32, #tpu.memory_space<vmem>> -> memref<1x50x128xf32, #tpu.memory_space<vmem>>
        %dma_start3A_309 = tpu.memref_squeeze %dma_start3A_308 : memref<1x50x128xf32, #tpu.memory_space<vmem>> -> memref<50x128xf32, #tpu.memory_space<vmem>>
        %dma_start3A_310 = arith.constant 0 : i32
        %dma_start3A_311 = tpu.memref_slice %arg5[%add3A_304, %dma_start3A_310] : memref<128x50xi32, #tpu.memory_space<vmem>> -> memref<1x50xi32, #tpu.memory_space<vmem>>
        %dma_start3A_312 = tpu.memref_squeeze %dma_start3A_311 : memref<1x50xi32, #tpu.memory_space<vmem>> -> memref<50xi32, #tpu.memory_space<vmem>>
        %dma_start3A_313 = arith.constant 0 : i32
        %dma_start3A_314 = arith.constant 0 : i32
        %dma_start3A_315 = tpu.memref_slice %arg2[%dma_start3A_313, %dma_start3A_314] : memref<100000x128xf32, #tpu.memory_space<hbm>> -> memref<100000x128xf32, #tpu.memory_space<hbm>>
        tpu.enqueue_indirect_dma source(%dma_start3A_315 : memref<100000x128xf32, #tpu.memory_space<hbm>>) target(%dma_start3A_309 : memref<50x128xf32, #tpu.memory_space<vmem>>) offsets(%dma_start3A_312 : memref<50xi32, #tpu.memory_space<vmem>>) semaphore(%arg10 : memref<!tpu.dma_semaphore, #tpu.memory_space<semaphore_mem>>)
        %mul3A_316 = arith.constant 2 : i32
        %mul3A_317 = arith.muli %add3A_300, %mul3A_316 : i32
        %add3A_318 = arith.constant 1 : i32
        %add3A_319 = arith.addi %mul3A_317, %add3A_318 : i32
        %dma_start3A_320 = arith.constant 1 : i32
        %dma_start3A_321 = arith.constant 0 : i32
        %dma_start3A_322 = arith.constant 0 : i32
        %dma_start3A_323 = tpu.memref_slice %arg6[%dma_start3A_320, %dma_start3A_321, %dma_start3A_322] : memref<2x50x128xf32, #tpu.memory_space<vmem>> -> memref<1x50x128xf32, #tpu.memory_space<vmem>>
        %dma_start3A_324 = tpu.memref_squeeze %dma_start3A_323 : memref<1x50x128xf32, #tpu.memory_space<vmem>> -> memref<50x128xf32, #tpu.memory_space<vmem>>
        %dma_start3A_325 = arith.constant 0 : i32
        %dma_start3A_326 = tpu.memref_slice %arg5[%add3A_319, %dma_start3A_325] : memref<128x50xi32, #tpu.memory_space<vmem>> -> memref<1x50xi32, #tpu.memory_space<vmem>>
        %dma_start3A_327 = tpu.memref_squeeze %dma_start3A_326 : memref<1x50xi32, #tpu.memory_space<vmem>> -> memref<50xi32, #tpu.memory_space<vmem>>
        %dma_start3A_328 = arith.constant 0 : i32
        %dma_start3A_329 = arith.constant 0 : i32
        %dma_start3A_330 = tpu.memref_slice %arg2[%dma_start3A_328, %dma_start3A_329] : memref<100000x128xf32, #tpu.memory_space<hbm>> -> memref<100000x128xf32, #tpu.memory_space<hbm>>
        tpu.enqueue_indirect_dma source(%dma_start3A_330 : memref<100000x128xf32, #tpu.memory_space<hbm>>) target(%dma_start3A_324 : memref<50x128xf32, #tpu.memory_space<vmem>>) offsets(%dma_start3A_327 : memref<50xi32, #tpu.memory_space<vmem>>) semaphore(%arg10 : memref<!tpu.dma_semaphore, #tpu.memory_space<semaphore_mem>>)
      } else {
      }
      %mul3A_200 = arith.constant 2 : i32
      %mul3A_201 = arith.muli %add3A_192, %mul3A_200 : i32
      %add3A_202 = arith.constant 0 : i32
      %add3A_203 = arith.addi %mul3A_201, %add3A_202 : i32
      %dma_wait3A_204 = arith.constant 0 : i32
      %dma_wait3A_205 = arith.constant 0 : i32
      %dma_wait3A_206 = arith.constant 0 : i32
      %dma_wait3A_207 = tpu.memref_slice %arg8[%dma_wait3A_204, %dma_wait3A_205, %dma_wait3A_206] : memref<2x50x128xf32, #tpu.memory_space<vmem>> -> memref<1x50x128xf32, #tpu.memory_space<vmem>>
      %dma_wait3A_208 = tpu.memref_squeeze %dma_wait3A_207 : memref<1x50x128xf32, #tpu.memory_space<vmem>> -> memref<50x128xf32, #tpu.memory_space<vmem>>
      %dma_wait3A_209 = arith.constant 0 : i32
      %dma_wait3A_210 = tpu.memref_slice %arg5[%add3A_203, %dma_wait3A_209] : memref<128x50xi32, #tpu.memory_space<vmem>> -> memref<1x50xi32, #tpu.memory_space<vmem>>
      %dma_wait3A_211 = tpu.memref_squeeze %dma_wait3A_210 : memref<1x50xi32, #tpu.memory_space<vmem>> -> memref<50xi32, #tpu.memory_space<vmem>>
      %dma_wait3A_212 = arith.constant 0 : i32
      %dma_wait3A_213 = arith.constant 0 : i32
      %dma_wait3A_214 = tpu.memref_slice %arg2[%dma_wait3A_212, %dma_wait3A_213] : memref<100000x128xf32, #tpu.memory_space<hbm>> -> memref<100000x128xf32, #tpu.memory_space<hbm>>
      tpu.wait_indirect_dma semaphore(%arg12 : memref<!tpu.dma_semaphore, #tpu.memory_space<semaphore_mem>>) src(%dma_wait3A_214 : memref<100000x128xf32, #tpu.memory_space<hbm>>) dst(%dma_wait3A_208 : memref<50x128xf32, #tpu.memory_space<vmem>>)
      %mul3A_215 = arith.constant 2 : i32
      %mul3A_216 = arith.muli %add3A_192, %mul3A_215 : i32
      %add3A_217 = arith.constant 1 : i32
      %add3A_218 = arith.addi %mul3A_216, %add3A_217 : i32
      %dma_wait3A_219 = arith.constant 1 : i32
      %dma_wait3A_220 = arith.constant 0 : i32
      %dma_wait3A_221 = arith.constant 0 : i32
      %dma_wait3A_222 = tpu.memref_slice %arg8[%dma_wait3A_219, %dma_wait3A_220, %dma_wait3A_221] : memref<2x50x128xf32, #tpu.memory_space<vmem>> -> memref<1x50x128xf32, #tpu.memory_space<vmem>>
      %dma_wait3A_223 = tpu.memref_squeeze %dma_wait3A_222 : memref<1x50x128xf32, #tpu.memory_space<vmem>> -> memref<50x128xf32, #tpu.memory_space<vmem>>
      %dma_wait3A_224 = arith.constant 0 : i32
      %dma_wait3A_225 = tpu.memref_slice %arg5[%add3A_218, %dma_wait3A_224] : memref<128x50xi32, #tpu.memory_space<vmem>> -> memref<1x50xi32, #tpu.memory_space<vmem>>
      %dma_wait3A_226 = tpu.memref_squeeze %dma_wait3A_225 : memref<1x50xi32, #tpu.memory_space<vmem>> -> memref<50xi32, #tpu.memory_space<vmem>>
      %dma_wait3A_227 = arith.constant 0 : i32
      %dma_wait3A_228 = arith.constant 0 : i32
      %dma_wait3A_229 = tpu.memref_slice %arg2[%dma_wait3A_227, %dma_wait3A_228] : memref<100000x128xf32, #tpu.memory_space<hbm>> -> memref<100000x128xf32, #tpu.memory_space<hbm>>
      tpu.wait_indirect_dma semaphore(%arg12 : memref<!tpu.dma_semaphore, #tpu.memory_space<semaphore_mem>>) src(%dma_wait3A_229 : memref<100000x128xf32, #tpu.memory_space<hbm>>) dst(%dma_wait3A_223 : memref<50x128xf32, #tpu.memory_space<vmem>>)
      %parallel_loop3A_230 = arith.constant 0 : i32
      %parallel_loop3A_231 = arith.constant 50 : i32
      %parallel_loop3A_232 = arith.constant 1 : i32
      scf.for %parallel_loop3A_295 = %parallel_loop3A_230 to %parallel_loop3A_231 step %parallel_loop3A_232  : i32 {
        %parallel_loop3A_296 = arith.constant 0 : i32
        %parallel_loop3A_297 = arith.index_cast %parallel_loop3A_296 : i32 to index
        %parallel_loop3A_298 = arith.index_cast %parallel_loop3A_295 : i32 to index
        %parallel_loop3A_299 = arith.constant 0 : index
        %parallel_loop3A_300 = tpu.vector_load %arg8[%parallel_loop3A_297, %parallel_loop3A_298, %parallel_loop3A_299] {strides = array<i32>} : memref<2x50x128xf32, #tpu.memory_space<vmem>>, vector<1x1x16xf32>,
        %parallel_loop3A_301 = vector.shape_cast %parallel_loop3A_300 : vector<1x1x16xf32> to vector<16xf32>
        %parallel_loop3A_302 = arith.constant 8.000000e+00 : f32
        %parallel_loop3A_303 = vector.broadcast %parallel_loop3A_302 : f32 to vector<16xf32>
        %parallel_loop3A_304 = arith.mulf %parallel_loop3A_301, %parallel_loop3A_303 : vector<16xf32>
        %parallel_loop3A_305 = arith.constant 0 : i32
        %parallel_loop3A_306 = arith.index_cast %parallel_loop3A_305 : i32 to index
        %parallel_loop3A_307 = arith.index_cast %parallel_loop3A_295 : i32 to index
        %parallel_loop3A_308 = arith.constant 0 : index
        %parallel_loop3A_309 = tpu.vector_load %arg8[%parallel_loop3A_306, %parallel_loop3A_307, %parallel_loop3A_308] {strides = array<i32>} : memref<2x50x128xf32, #tpu.memory_space<vmem>>, vector<1x1x16xf32>,
        %parallel_loop3A_310 = vector.shape_cast %parallel_loop3A_309 : vector<1x1x16xf32> to vector<16xf32>
        %parallel_loop3A_311 = vector.shape_cast %parallel_loop3A_304 : vector<16xf32> to vector<1x1x16xf32>
        tpu.vector_store %arg8[%parallel_loop3A_306, %parallel_loop3A_307, %parallel_loop3A_308], %parallel_loop3A_311 {strides = array<i32>} : memref<2x50x128xf32, #tpu.memory_space<vmem>>, vector<1x1x16xf32>,
        %parallel_loop3A_312 = arith.constant 0 : i32
        %parallel_loop3A_313 = arith.index_cast %parallel_loop3A_312 : i32 to index
        %parallel_loop3A_314 = arith.index_cast %parallel_loop3A_295 : i32 to index
        %parallel_loop3A_315 = arith.constant 16 : index
        %parallel_loop3A_316 = tpu.vector_load %arg8[%parallel_loop3A_313, %parallel_loop3A_314, %parallel_loop3A_315] {strides = array<i32>} : memref<2x50x128xf32, #tpu.memory_space<vmem>>, vector<1x1x16xf32>,
        %parallel_loop3A_317 = vector.shape_cast %parallel_loop3A_316 : vector<1x1x16xf32> to vector<16xf32>
        %parallel_loop3A_318 = arith.constant 8.000000e+00 : f32
        %parallel_loop3A_319 = vector.broadcast %parallel_loop3A_318 : f32 to vector<16xf32>
        %parallel_loop3A_320 = arith.mulf %parallel_loop3A_317, %parallel_loop3A_319 : vector<16xf32>
        %parallel_loop3A_321 = arith.constant 0 : i32
        %parallel_loop3A_322 = arith.index_cast %parallel_loop3A_321 : i32 to index
        %parallel_loop3A_323 = arith.index_cast %parallel_loop3A_295 : i32 to index
        %parallel_loop3A_324 = arith.constant 16 : index
        %parallel_loop3A_325 = tpu.vector_load %arg8[%parallel_loop3A_322, %parallel_loop3A_323, %parallel_loop3A_324] {strides = array<i32>} : memref<2x50x128xf32, #tpu.memory_space<vmem>>, vector<1x1x16xf32>,
        %parallel_loop3A_326 = vector.shape_cast %parallel_loop3A_325 : vector<1x1x16xf32> to vector<16xf32>
        %parallel_loop3A_327 = vector.shape_cast %parallel_loop3A_320 : vector<16xf32> to vector<1x1x16xf32>
        tpu.vector_store %arg8[%parallel_loop3A_322, %parallel_loop3A_323, %parallel_loop3A_324], %parallel_loop3A_327 {strides = array<i32>} : memref<2x50x128xf32, #tpu.memory_space<vmem>>, vector<1x1x16xf32>,
        %parallel_loop3A_328 = arith.constant 0 : i32
        %parallel_loop3A_329 = arith.index_cast %parallel_loop3A_328 : i32 to index
        %parallel_loop3A_330 = arith.index_cast %parallel_loop3A_295 : i32 to index
        %parallel_loop3A_331 = arith.constant 32 : index
        %parallel_loop3A_332 = tpu.vector_load %arg8[%parallel_loop3A_329, %parallel_loop3A_330, %parallel_loop3A_331] {strides = array<i32>} : memref<2x50x128xf32, #tpu.memory_space<vmem>>, vector<1x1x16xf32>,
        %parallel_loop3A_333 = vector.shape_cast %parallel_loop3A_332 : vector<1x1x16xf32> to vector<16xf32>
        %parallel_loop3A_334 = arith.constant 8.000000e+00 : f32
        %parallel_loop3A_335 = vector.broadcast %parallel_loop3A_334 : f32 to vector<16xf32>
        %parallel_loop3A_336 = arith.mulf %parallel_loop3A_333, %parallel_loop3A_335 : vector<16xf32>
        %parallel_loop3A_337 = arith.constant 0 : i32
        %parallel_loop3A_338 = arith.index_cast %parallel_loop3A_337 : i32 to index
        %parallel_loop3A_339 = arith.index_cast %parallel_loop3A_295 : i32 to index
        %parallel_loop3A_340 = arith.constant 32 : index
        %parallel_loop3A_341 = tpu.vector_load %arg8[%parallel_loop3A_338, %parallel_loop3A_339, %parallel_loop3A_340] {strides = array<i32>} : memref<2x50x128xf32, #tpu.memory_space<vmem>>, vector<1x1x16xf32>,
        %parallel_loop3A_342 = vector.shape_cast %parallel_loop3A_341 : vector<1x1x16xf32> to vector<16xf32>
        %parallel_loop3A_343 = vector.shape_cast %parallel_loop3A_336 : vector<16xf32> to vector<1x1x16xf32>
        tpu.vector_store %arg8[%parallel_loop3A_338, %parallel_loop3A_339, %parallel_loop3A_340], %parallel_loop3A_343 {strides = array<i32>} : memref<2x50x128xf32, #tpu.memory_space<vmem>>, vector<1x1x16xf32>,
        %parallel_loop3A_344 = arith.constant 0 : i32
        %parallel_loop3A_345 = arith.index_cast %parallel_loop3A_344 : i32 to index
        %parallel_loop3A_346 = arith.index_cast %parallel_loop3A_295 : i32 to index
        %parallel_loop3A_347 = arith.constant 48 : index
        %parallel_loop3A_348 = tpu.vector_load %arg8[%parallel_loop3A_345, %parallel_loop3A_346, %parallel_loop3A_347] {strides = array<i32>} : memref<2x50x128xf32, #tpu.memory_space<vmem>>, vector<1x1x16xf32>,
        %parallel_loop3A_349 = vector.shape_cast %parallel_loop3A_348 : vector<1x1x16xf32> to vector<16xf32>
        %parallel_loop3A_350 = arith.constant 8.000000e+00 : f32
        %parallel_loop3A_351 = vector.broadcast %parallel_loop3A_350 : f32 to vector<16xf32>
        %parallel_loop3A_352 = arith.mulf %parallel_loop3A_349, %parallel_loop3A_351 : vector<16xf32>
        %parallel_loop3A_353 = arith.constant 0 : i32
        %parallel_loop3A_354 = arith.index_cast %parallel_loop3A_353 : i32 to index
        %parallel_loop3A_355 = arith.index_cast %parallel_loop3A_295 : i32 to index
        %parallel_loop3A_356 = arith.constant 48 : index
        %parallel_loop3A_357 = tpu.vector_load %arg8[%parallel_loop3A_354, %parallel_loop3A_355, %parallel_loop3A_356] {strides = array<i32>} : memref<2x50x128xf32, #tpu.memory_space<vmem>>, vector<1x1x16xf32>,
        %parallel_loop3A_358 = vector.shape_cast %parallel_loop3A_357 : vector<1x1x16xf32> to vector<16xf32>
        %parallel_loop3A_359 = vector.shape_cast %parallel_loop3A_352 : vector<16xf32> to vector<1x1x16xf32>
        tpu.vector_store %arg8[%parallel_loop3A_354, %parallel_loop3A_355, %parallel_loop3A_356], %parallel_loop3A_359 {strides = array<i32>} : memref<2x50x128xf32, #tpu.memory_space<vmem>>, vector<1x1x16xf32>,
        %parallel_loop3A_360 = arith.constant 1 : i32
        %parallel_loop3A_361 = arith.index_cast %parallel_loop3A_360 : i32 to index
        %parallel_loop3A_362 = arith.index_cast %parallel_loop3A_295 : i32 to index
        %parallel_loop3A_363 = arith.constant 0 : index
        %parallel_loop3A_364 = tpu.vector_load %arg8[%parallel_loop3A_361, %parallel_loop3A_362, %parallel_loop3A_363] {strides = array<i32>} : memref<2x50x128xf32, #tpu.memory_space<vmem>>, vector<1x1x16xf32>,
        %parallel_loop3A_365 = vector.shape_cast %parallel_loop3A_364 : vector<1x1x16xf32> to vector<16xf32>
        %parallel_loop3A_366 = arith.constant 8.000000e+00 : f32
        %parallel_loop3A_367 = vector.broadcast %parallel_loop3A_366 : f32 to vector<16xf32>
        %parallel_loop3A_368 = arith.mulf %parallel_loop3A_365, %parallel_loop3A_367 : vector<16xf32>
        %parallel_loop3A_369 = arith.constant 1 : i32
        %parallel_loop3A_370 = arith.index_cast %parallel_loop3A_369 : i32 to index
        %parallel_loop3A_371 = arith.index_cast %parallel_loop3A_295 : i32 to index
        %parallel_loop3A_372 = arith.constant 0 : index
        %parallel_loop3A_373 = tpu.vector_load %arg8[%parallel_loop3A_370, %parallel_loop3A_371, %parallel_loop3A_372] {strides = array<i32>} : memref<2x50x128xf32, #tpu.memory_space<vmem>>, vector<1x1x16xf32>,
        %parallel_loop3A_374 = vector.shape_cast %parallel_loop3A_373 : vector<1x1x16xf32> to vector<16xf32>
        %parallel_loop3A_375 = vector.shape_cast %parallel_loop3A_368 : vector<16xf32> to vector<1x1x16xf32>
        tpu.vector_store %arg8[%parallel_loop3A_370, %parallel_loop3A_371, %parallel_loop3A_372], %parallel_loop3A_375 {strides = array<i32>} : memref<2x50x128xf32, #tpu.memory_space<vmem>>, vector<1x1x16xf32>,
        %parallel_loop3A_376 = arith.constant 1 : i32
        %parallel_loop3A_377 = arith.index_cast %parallel_loop3A_376 : i32 to index
        %parallel_loop3A_378 = arith.index_cast %parallel_loop3A_295 : i32 to index
        %parallel_loop3A_379 = arith.constant 16 : index
        %parallel_loop3A_380 = tpu.vector_load %arg8[%parallel_loop3A_377, %parallel_loop3A_378, %parallel_loop3A_379] {strides = array<i32>} : memref<2x50x128xf32, #tpu.memory_space<vmem>>, vector<1x1x16xf32>,
        %parallel_loop3A_381 = vector.shape_cast %parallel_loop3A_380 : vector<1x1x16xf32> to vector<16xf32>
        %parallel_loop3A_382 = arith.constant 8.000000e+00 : f32
        %parallel_loop3A_383 = vector.broadcast %parallel_loop3A_382 : f32 to vector<16xf32>
        %parallel_loop3A_384 = arith.mulf %parallel_loop3A_381, %parallel_loop3A_383 : vector<16xf32>
        %parallel_loop3A_385 = arith.constant 1 : i32
        %parallel_loop3A_386 = arith.index_cast %parallel_loop3A_385 : i32 to index
        %parallel_loop3A_387 = arith.index_cast %parallel_loop3A_295 : i32 to index
        %parallel_loop3A_388 = arith.constant 16 : index
        %parallel_loop3A_389 = tpu.vector_load %arg8[%parallel_loop3A_386, %parallel_loop3A_387, %parallel_loop3A_388] {strides = array<i32>} : memref<2x50x128xf32, #tpu.memory_space<vmem>>, vector<1x1x16xf32>,
        %parallel_loop3A_390 = vector.shape_cast %parallel_loop3A_389 : vector<1x1x16xf32> to vector<16xf32>
        %parallel_loop3A_391 = vector.shape_cast %parallel_loop3A_384 : vector<16xf32> to vector<1x1x16xf32>
        tpu.vector_store %arg8[%parallel_loop3A_386, %parallel_loop3A_387, %parallel_loop3A_388], %parallel_loop3A_391 {strides = array<i32>} : memref<2x50x128xf32, #tpu.memory_space<vmem>>, vector<1x1x16xf32>,
        %parallel_loop3A_392 = arith.constant 1 : i32
        %parallel_loop3A_393 = arith.index_cast %parallel_loop3A_392 : i32 to index
        %parallel_loop3A_394 = arith.index_cast %parallel_loop3A_295 : i32 to index
        %parallel_loop3A_395 = arith.constant 32 : index
        %parallel_loop3A_396 = tpu.vector_load %arg8[%parallel_loop3A_393, %parallel_loop3A_394, %parallel_loop3A_395] {strides = array<i32>} : memref<2x50x128xf32, #tpu.memory_space<vmem>>, vector<1x1x16xf32>,
        %parallel_loop3A_397 = vector.shape_cast %parallel_loop3A_396 : vector<1x1x16xf32> to vector<16xf32>
        %parallel_loop3A_398 = arith.constant 8.000000e+00 : f32
        %parallel_loop3A_399 = vector.broadcast %parallel_loop3A_398 : f32 to vector<16xf32>
        %parallel_loop3A_400 = arith.mulf %parallel_loop3A_397, %parallel_loop3A_399 : vector<16xf32>
        %parallel_loop3A_401 = arith.constant 1 : i32
        %parallel_loop3A_402 = arith.index_cast %parallel_loop3A_401 : i32 to index
        %parallel_loop3A_403 = arith.index_cast %parallel_loop3A_295 : i32 to index
        %parallel_loop3A_404 = arith.constant 32 : index
        %parallel_loop3A_405 = tpu.vector_load %arg8[%parallel_loop3A_402, %parallel_loop3A_403, %parallel_loop3A_404] {strides = array<i32>} : memref<2x50x128xf32, #tpu.memory_space<vmem>>, vector<1x1x16xf32>,
        %parallel_loop3A_406 = vector.shape_cast %parallel_loop3A_405 : vector<1x1x16xf32> to vector<16xf32>
        %parallel_loop3A_407 = vector.shape_cast %parallel_loop3A_400 : vector<16xf32> to vector<1x1x16xf32>
        tpu.vector_store %arg8[%parallel_loop3A_402, %parallel_loop3A_403, %parallel_loop3A_404], %parallel_loop3A_407 {strides = array<i32>} : memref<2x50x128xf32, #tpu.memory_space<vmem>>, vector<1x1x16xf32>,
        %parallel_loop3A_408 = arith.constant 1 : i32
        %parallel_loop3A_409 = arith.index_cast %parallel_loop3A_408 : i32 to index
        %parallel_loop3A_410 = arith.index_cast %parallel_loop3A_295 : i32 to index
        %parallel_loop3A_411 = arith.constant 48 : index
        %parallel_loop3A_412 = tpu.vector_load %arg8[%parallel_loop3A_409, %parallel_loop3A_410, %parallel_loop3A_411] {strides = array<i32>} : memref<2x50x128xf32, #tpu.memory_space<vmem>>, vector<1x1x16xf32>,
        %parallel_loop3A_413 = vector.shape_cast %parallel_loop3A_412 : vector<1x1x16xf32> to vector<16xf32>
        %parallel_loop3A_414 = arith.constant 8.000000e+00 : f32
        %parallel_loop3A_415 = vector.broadcast %parallel_loop3A_414 : f32 to vector<16xf32>
        %parallel_loop3A_416 = arith.mulf %parallel_loop3A_413, %parallel_loop3A_415 : vector<16xf32>
        %parallel_loop3A_417 = arith.constant 1 : i32
        %parallel_loop3A_418 = arith.index_cast %parallel_loop3A_417 : i32 to index
        %parallel_loop3A_419 = arith.index_cast %parallel_loop3A_295 : i32 to index
        %parallel_loop3A_420 = arith.constant 48 : index
        %parallel_loop3A_421 = tpu.vector_load %arg8[%parallel_loop3A_418, %parallel_loop3A_419, %parallel_loop3A_420] {strides = array<i32>} : memref<2x50x128xf32, #tpu.memory_space<vmem>>, vector<1x1x16xf32>,
        %parallel_loop3A_422 = vector.shape_cast %parallel_loop3A_421 : vector<1x1x16xf32> to vector<16xf32>
        %parallel_loop3A_423 = vector.shape_cast %parallel_loop3A_416 : vector<16xf32> to vector<1x1x16xf32>
        tpu.vector_store %arg8[%parallel_loop3A_418, %parallel_loop3A_419, %parallel_loop3A_420], %parallel_loop3A_423 {strides = array<i32>} : memref<2x50x128xf32, #tpu.memory_space<vmem>>, vector<1x1x16xf32>,
      } {sc.loop_unroll_factor = 2 : i64, sc.parallel_access}
      %mul3A_233 = arith.constant 2 : i32
      %mul3A_234 = arith.muli %add3A_192, %mul3A_233 : i32
      %add3A_235 = arith.addi %mul3A_2, %mul3A_234 : i32
      %dma_start3A_236 = arith.constant 0 : i32
      %dma_start3A_237 = arith.constant 0 : i32
      %dma_start3A_238 = tpu.memref_slice %arg4[%add3A_235, %dma_start3A_236, %dma_start3A_237] : memref<4096x50x128xf32, #tpu.memory_space<hbm>> -> memref<2x50x128xf32, #tpu.memory_space<hbm>>
      %dma_start3A_239 = arith.constant 0 : i32
      %dma_start3A_240 = arith.constant 0 : i32
      %dma_start3A_241 = tpu.memref_slice %arg4[%add3A_235, %dma_start3A_239, %dma_start3A_240] : memref<4096x50x128xf32, #tpu.memory_space<hbm>> -> memref<2x50x128xf32, #tpu.memory_space<hbm>>
      tpu.enqueue_dma source(%arg8 : memref<2x50x128xf32, #tpu.memory_space<vmem>>) target(%dma_start3A_241 : memref<2x50x128xf32, #tpu.memory_space<hbm>>) target_semaphore(%arg16 : memref<!tpu.dma_semaphore, #tpu.memory_space<semaphore_mem>>)
      %mul3A_242 = arith.constant 4 : i32
      %mul3A_243 = arith.muli %mul3A_242, %scan3A_86 : i32
      %add3A_244 = arith.constant 3 : i32
      %add3A_245 = arith.addi %mul3A_243, %add3A_244 : i32
      %add3A_246 = arith.constant 2 : i32
      %add3A_247 = arith.addi %add3A_245, %add3A_246 : i32
      %lt3A_248 = arith.constant 64 : i32
      %lt3A_249 = arith.cmpi slt, %add3A_247, %lt3A_248 : i32
      %convert_element_type3A_250 = arith.extui %lt3A_249 : i1 to i32
      %cond3A_251 = arith.constant 0 : i32
      %cond3A_252 = arith.cmpi ne, %convert_element_type3A_250, %cond3A_251 : i32
      scf.if %cond3A_252 {
        %ge3A = arith.constant 2 : i32
        %ge3A_295 = arith.cmpi sge, %add3A_245, %ge3A : i32
        %convert_element_type3A_296 = arith.extui %ge3A_295 : i1 to i32
        %cond3A_297 = arith.constant 0 : i32
        %cond3A_298 = arith.cmpi ne, %convert_element_type3A_296, %cond3A_297 : i32
        scf.if %cond3A_298 {
          %sub3A = arith.constant 2 : i32
          %sub3A_331 = arith.subi %add3A_245, %sub3A : i32
          %mul3A_332 = arith.constant 2 : i32
          %mul3A_333 = arith.muli %sub3A_331, %mul3A_332 : i32
          %add3A_334 = arith.addi %mul3A_2, %mul3A_333 : i32
          %dma_wait3A_335 = arith.constant 0 : i32
          %dma_wait3A_336 = arith.constant 0 : i32
          %dma_wait3A_337 = tpu.memref_slice %arg4[%add3A_334, %dma_wait3A_335, %dma_wait3A_336] : memref<4096x50x128xf32, #tpu.memory_space<hbm>> -> memref<2x50x128xf32, #tpu.memory_space<hbm>>
          %dma_wait3A_338 = arith.constant 0 : i32
          %dma_wait3A_339 = arith.constant 0 : i32
          %dma_wait3A_340 = tpu.memref_slice %arg4[%add3A_334, %dma_wait3A_338, %dma_wait3A_339] : memref<4096x50x128xf32, #tpu.memory_space<hbm>> -> memref<2x50x128xf32, #tpu.memory_space<hbm>>
          tpu.wait_dma2 semaphore(%arg15 : memref<!tpu.dma_semaphore, #tpu.memory_space<semaphore_mem>>) src(%arg7 : memref<2x50x128xf32, #tpu.memory_space<vmem>>) dst(%dma_wait3A_340 : memref<2x50x128xf32, #tpu.memory_space<hbm>>)
        } else {
        }
        %add3A_299 = arith.constant 2 : i32
        %add3A_300 = arith.addi %add3A_245, %add3A_299 : i32
        %mul3A_301 = arith.constant 2 : i32
        %mul3A_302 = arith.muli %add3A_300, %mul3A_301 : i32
        %add3A_303 = arith.constant 0 : i32
        %add3A_304 = arith.addi %mul3A_302, %add3A_303 : i32
        %dma_start3A_305 = arith.constant 0 : i32
        %dma_start3A_306 = arith.constant 0 : i32
        %dma_start3A_307 = arith.constant 0 : i32
        %dma_start3A_308 = tpu.memref_slice %arg7[%dma_start3A_305, %dma_start3A_306, %dma_start3A_307] : memref<2x50x128xf32, #tpu.memory_space<vmem>> -> memref<1x50x128xf32, #tpu.memory_space<vmem>>
        %dma_start3A_309 = tpu.memref_squeeze %dma_start3A_308 : memref<1x50x128xf32, #tpu.memory_space<vmem>> -> memref<50x128xf32, #tpu.memory_space<vmem>>
        %dma_start3A_310 = arith.constant 0 : i32
        %dma_start3A_311 = tpu.memref_slice %arg5[%add3A_304, %dma_start3A_310] : memref<128x50xi32, #tpu.memory_space<vmem>> -> memref<1x50xi32, #tpu.memory_space<vmem>>
        %dma_start3A_312 = tpu.memref_squeeze %dma_start3A_311 : memref<1x50xi32, #tpu.memory_space<vmem>> -> memref<50xi32, #tpu.memory_space<vmem>>
        %dma_start3A_313 = arith.constant 0 : i32
        %dma_start3A_314 = arith.constant 0 : i32
        %dma_start3A_315 = tpu.memref_slice %arg2[%dma_start3A_313, %dma_start3A_314] : memref<100000x128xf32, #tpu.memory_space<hbm>> -> memref<100000x128xf32, #tpu.memory_space<hbm>>
        tpu.enqueue_indirect_dma source(%dma_start3A_315 : memref<100000x128xf32, #tpu.memory_space<hbm>>) target(%dma_start3A_309 : memref<50x128xf32, #tpu.memory_space<vmem>>) offsets(%dma_start3A_312 : memref<50xi32, #tpu.memory_space<vmem>>) semaphore(%arg11 : memref<!tpu.dma_semaphore, #tpu.memory_space<semaphore_mem>>)
        %mul3A_316 = arith.constant 2 : i32
        %mul3A_317 = arith.muli %add3A_300, %mul3A_316 : i32
        %add3A_318 = arith.constant 1 : i32
        %add3A_319 = arith.addi %mul3A_317, %add3A_318 : i32
        %dma_start3A_320 = arith.constant 1 : i32
        %dma_start3A_321 = arith.constant 0 : i32
        %dma_start3A_322 = arith.constant 0 : i32
        %dma_start3A_323 = tpu.memref_slice %arg7[%dma_start3A_320, %dma_start3A_321, %dma_start3A_322] : memref<2x50x128xf32, #tpu.memory_space<vmem>> -> memref<1x50x128xf32, #tpu.memory_space<vmem>>
        %dma_start3A_324 = tpu.memref_squeeze %dma_start3A_323 : memref<1x50x128xf32, #tpu.memory_space<vmem>> -> memref<50x128xf32, #tpu.memory_space<vmem>>
        %dma_start3A_325 = arith.constant 0 : i32
        %dma_start3A_326 = tpu.memref_slice %arg5[%add3A_319, %dma_start3A_325] : memref<128x50xi32, #tpu.memory_space<vmem>> -> memref<1x50xi32, #tpu.memory_space<vmem>>
        %dma_start3A_327 = tpu.memref_squeeze %dma_start3A_326 : memref<1x50xi32, #tpu.memory_space<vmem>> -> memref<50xi32, #tpu.memory_space<vmem>>
        %dma_start3A_328 = arith.constant 0 : i32
        %dma_start3A_329 = arith.constant 0 : i32
        %dma_start3A_330 = tpu.memref_slice %arg2[%dma_start3A_328, %dma_start3A_329] : memref<100000x128xf32, #tpu.memory_space<hbm>> -> memref<100000x128xf32, #tpu.memory_space<hbm>>
        tpu.enqueue_indirect_dma source(%dma_start3A_330 : memref<100000x128xf32, #tpu.memory_space<hbm>>) target(%dma_start3A_324 : memref<50x128xf32, #tpu.memory_space<vmem>>) offsets(%dma_start3A_327 : memref<50xi32, #tpu.memory_space<vmem>>) semaphore(%arg11 : memref<!tpu.dma_semaphore, #tpu.memory_space<semaphore_mem>>)
      } else {
      }
      %mul3A_253 = arith.constant 2 : i32
      %mul3A_254 = arith.muli %add3A_245, %mul3A_253 : i32
      %add3A_255 = arith.constant 0 : i32
      %add3A_256 = arith.addi %mul3A_254, %add3A_255 : i32
      %dma_wait3A_257 = arith.constant 0 : i32
      %dma_wait3A_258 = arith.constant 0 : i32
      %dma_wait3A_259 = arith.constant 0 : i32
      %dma_wait3A_260 = tpu.memref_slice %arg9[%dma_wait3A_257, %dma_wait3A_258, %dma_wait3A_259] : memref<2x50x128xf32, #tpu.memory_space<vmem>> -> memref<1x50x128xf32, #tpu.memory_space<vmem>>
      %dma_wait3A_261 = tpu.memref_squeeze %dma_wait3A_260 : memref<1x50x128xf32, #tpu.memory_space<vmem>> -> memref<50x128xf32, #tpu.memory_space<vmem>>
      %dma_wait3A_262 = arith.constant 0 : i32
      %dma_wait3A_263 = tpu.memref_slice %arg5[%add3A_256, %dma_wait3A_262] : memref<128x50xi32, #tpu.memory_space<vmem>> -> memref<1x50xi32, #tpu.memory_space<vmem>>
      %dma_wait3A_264 = tpu.memref_squeeze %dma_wait3A_263 : memref<1x50xi32, #tpu.memory_space<vmem>> -> memref<50xi32, #tpu.memory_space<vmem>>
      %dma_wait3A_265 = arith.constant 0 : i32
      %dma_wait3A_266 = arith.constant 0 : i32
      %dma_wait3A_267 = tpu.memref_slice %arg2[%dma_wait3A_265, %dma_wait3A_266] : memref<100000x128xf32, #tpu.memory_space<hbm>> -> memref<100000x128xf32, #tpu.memory_space<hbm>>
      tpu.wait_indirect_dma semaphore(%arg13 : memref<!tpu.dma_semaphore, #tpu.memory_space<semaphore_mem>>) src(%dma_wait3A_267 : memref<100000x128xf32, #tpu.memory_space<hbm>>) dst(%dma_wait3A_261 : memref<50x128xf32, #tpu.memory_space<vmem>>)
      %mul3A_268 = arith.constant 2 : i32
      %mul3A_269 = arith.muli %add3A_245, %mul3A_268 : i32
      %add3A_270 = arith.constant 1 : i32
      %add3A_271 = arith.addi %mul3A_269, %add3A_270 : i32
      %dma_wait3A_272 = arith.constant 1 : i32
      %dma_wait3A_273 = arith.constant 0 : i32
      %dma_wait3A_274 = arith.constant 0 : i32
      %dma_wait3A_275 = tpu.memref_slice %arg9[%dma_wait3A_272, %dma_wait3A_273, %dma_wait3A_274] : memref<2x50x128xf32, #tpu.memory_space<vmem>> -> memref<1x50x128xf32, #tpu.memory_space<vmem>>
      %dma_wait3A_276 = tpu.memref_squeeze %dma_wait3A_275 : memref<1x50x128xf32, #tpu.memory_space<vmem>> -> memref<50x128xf32, #tpu.memory_space<vmem>>
      %dma_wait3A_277 = arith.constant 0 : i32
      %dma_wait3A_278 = tpu.memref_slice %arg5[%add3A_271, %dma_wait3A_277] : memref<128x50xi32, #tpu.memory_space<vmem>> -> memref<1x50xi32, #tpu.memory_space<vmem>>
      %dma_wait3A_279 = tpu.memref_squeeze %dma_wait3A_278 : memref<1x50xi32, #tpu.memory_space<vmem>> -> memref<50xi32, #tpu.memory_space<vmem>>
      %dma_wait3A_280 = arith.constant 0 : i32
      %dma_wait3A_281 = arith.constant 0 : i32
      %dma_wait3A_282 = tpu.memref_slice %arg2[%dma_wait3A_280, %dma_wait3A_281] : memref<100000x128xf32, #tpu.memory_space<hbm>> -> memref<100000x128xf32, #tpu.memory_space<hbm>>
      tpu.wait_indirect_dma semaphore(%arg13 : memref<!tpu.dma_semaphore, #tpu.memory_space<semaphore_mem>>) src(%dma_wait3A_282 : memref<100000x128xf32, #tpu.memory_space<hbm>>) dst(%dma_wait3A_276 : memref<50x128xf32, #tpu.memory_space<vmem>>)
      %parallel_loop3A_283 = arith.constant 0 : i32
      %parallel_loop3A_284 = arith.constant 50 : i32
      %parallel_loop3A_285 = arith.constant 1 : i32
      scf.for %parallel_loop3A_295 = %parallel_loop3A_283 to %parallel_loop3A_284 step %parallel_loop3A_285  : i32 {
        %parallel_loop3A_296 = arith.constant 0 : i32
        %parallel_loop3A_297 = arith.index_cast %parallel_loop3A_296 : i32 to index
        %parallel_loop3A_298 = arith.index_cast %parallel_loop3A_295 : i32 to index
        %parallel_loop3A_299 = arith.constant 0 : index
        %parallel_loop3A_300 = tpu.vector_load %arg9[%parallel_loop3A_297, %parallel_loop3A_298, %parallel_loop3A_299] {strides = array<i32>} : memref<2x50x128xf32, #tpu.memory_space<vmem>>, vector<1x1x16xf32>,
        %parallel_loop3A_301 = vector.shape_cast %parallel_loop3A_300 : vector<1x1x16xf32> to vector<16xf32>
        %parallel_loop3A_302 = arith.constant 8.000000e+00 : f32
        %parallel_loop3A_303 = vector.broadcast %parallel_loop3A_302 : f32 to vector<16xf32>
        %parallel_loop3A_304 = arith.mulf %parallel_loop3A_301, %parallel_loop3A_303 : vector<16xf32>
        %parallel_loop3A_305 = arith.constant 0 : i32
        %parallel_loop3A_306 = arith.index_cast %parallel_loop3A_305 : i32 to index
        %parallel_loop3A_307 = arith.index_cast %parallel_loop3A_295 : i32 to index
        %parallel_loop3A_308 = arith.constant 0 : index
        %parallel_loop3A_309 = tpu.vector_load %arg9[%parallel_loop3A_306, %parallel_loop3A_307, %parallel_loop3A_308] {strides = array<i32>} : memref<2x50x128xf32, #tpu.memory_space<vmem>>, vector<1x1x16xf32>,
        %parallel_loop3A_310 = vector.shape_cast %parallel_loop3A_309 : vector<1x1x16xf32> to vector<16xf32>
        %parallel_loop3A_311 = vector.shape_cast %parallel_loop3A_304 : vector<16xf32> to vector<1x1x16xf32>
        tpu.vector_store %arg9[%parallel_loop3A_306, %parallel_loop3A_307, %parallel_loop3A_308], %parallel_loop3A_311 {strides = array<i32>} : memref<2x50x128xf32, #tpu.memory_space<vmem>>, vector<1x1x16xf32>,
        %parallel_loop3A_312 = arith.constant 0 : i32
        %parallel_loop3A_313 = arith.index_cast %parallel_loop3A_312 : i32 to index
        %parallel_loop3A_314 = arith.index_cast %parallel_loop3A_295 : i32 to index
        %parallel_loop3A_315 = arith.constant 16 : index
        %parallel_loop3A_316 = tpu.vector_load %arg9[%parallel_loop3A_313, %parallel_loop3A_314, %parallel_loop3A_315] {strides = array<i32>} : memref<2x50x128xf32, #tpu.memory_space<vmem>>, vector<1x1x16xf32>,
        %parallel_loop3A_317 = vector.shape_cast %parallel_loop3A_316 : vector<1x1x16xf32> to vector<16xf32>
        %parallel_loop3A_318 = arith.constant 8.000000e+00 : f32
        %parallel_loop3A_319 = vector.broadcast %parallel_loop3A_318 : f32 to vector<16xf32>
        %parallel_loop3A_320 = arith.mulf %parallel_loop3A_317, %parallel_loop3A_319 : vector<16xf32>
        %parallel_loop3A_321 = arith.constant 0 : i32
        %parallel_loop3A_322 = arith.index_cast %parallel_loop3A_321 : i32 to index
        %parallel_loop3A_323 = arith.index_cast %parallel_loop3A_295 : i32 to index
        %parallel_loop3A_324 = arith.constant 16 : index
        %parallel_loop3A_325 = tpu.vector_load %arg9[%parallel_loop3A_322, %parallel_loop3A_323, %parallel_loop3A_324] {strides = array<i32>} : memref<2x50x128xf32, #tpu.memory_space<vmem>>, vector<1x1x16xf32>,
        %parallel_loop3A_326 = vector.shape_cast %parallel_loop3A_325 : vector<1x1x16xf32> to vector<16xf32>
        %parallel_loop3A_327 = vector.shape_cast %parallel_loop3A_320 : vector<16xf32> to vector<1x1x16xf32>
        tpu.vector_store %arg9[%parallel_loop3A_322, %parallel_loop3A_323, %parallel_loop3A_324], %parallel_loop3A_327 {strides = array<i32>} : memref<2x50x128xf32, #tpu.memory_space<vmem>>, vector<1x1x16xf32>,
        %parallel_loop3A_328 = arith.constant 0 : i32
        %parallel_loop3A_329 = arith.index_cast %parallel_loop3A_328 : i32 to index
        %parallel_loop3A_330 = arith.index_cast %parallel_loop3A_295 : i32 to index
        %parallel_loop3A_331 = arith.constant 32 : index
        %parallel_loop3A_332 = tpu.vector_load %arg9[%parallel_loop3A_329, %parallel_loop3A_330, %parallel_loop3A_331] {strides = array<i32>} : memref<2x50x128xf32, #tpu.memory_space<vmem>>, vector<1x1x16xf32>,
        %parallel_loop3A_333 = vector.shape_cast %parallel_loop3A_332 : vector<1x1x16xf32> to vector<16xf32>
        %parallel_loop3A_334 = arith.constant 8.000000e+00 : f32
        %parallel_loop3A_335 = vector.broadcast %parallel_loop3A_334 : f32 to vector<16xf32>
        %parallel_loop3A_336 = arith.mulf %parallel_loop3A_333, %parallel_loop3A_335 : vector<16xf32>
        %parallel_loop3A_337 = arith.constant 0 : i32
        %parallel_loop3A_338 = arith.index_cast %parallel_loop3A_337 : i32 to index
        %parallel_loop3A_339 = arith.index_cast %parallel_loop3A_295 : i32 to index
        %parallel_loop3A_340 = arith.constant 32 : index
        %parallel_loop3A_341 = tpu.vector_load %arg9[%parallel_loop3A_338, %parallel_loop3A_339, %parallel_loop3A_340] {strides = array<i32>} : memref<2x50x128xf32, #tpu.memory_space<vmem>>, vector<1x1x16xf32>,
        %parallel_loop3A_342 = vector.shape_cast %parallel_loop3A_341 : vector<1x1x16xf32> to vector<16xf32>
        %parallel_loop3A_343 = vector.shape_cast %parallel_loop3A_336 : vector<16xf32> to vector<1x1x16xf32>
        tpu.vector_store %arg9[%parallel_loop3A_338, %parallel_loop3A_339, %parallel_loop3A_340], %parallel_loop3A_343 {strides = array<i32>} : memref<2x50x128xf32, #tpu.memory_space<vmem>>, vector<1x1x16xf32>,
        %parallel_loop3A_344 = arith.constant 0 : i32
        %parallel_loop3A_345 = arith.index_cast %parallel_loop3A_344 : i32 to index
        %parallel_loop3A_346 = arith.index_cast %parallel_loop3A_295 : i32 to index
        %parallel_loop3A_347 = arith.constant 48 : index
        %parallel_loop3A_348 = tpu.vector_load %arg9[%parallel_loop3A_345, %parallel_loop3A_346, %parallel_loop3A_347] {strides = array<i32>} : memref<2x50x128xf32, #tpu.memory_space<vmem>>, vector<1x1x16xf32>,
        %parallel_loop3A_349 = vector.shape_cast %parallel_loop3A_348 : vector<1x1x16xf32> to vector<16xf32>
        %parallel_loop3A_350 = arith.constant 8.000000e+00 : f32
        %parallel_loop3A_351 = vector.broadcast %parallel_loop3A_350 : f32 to vector<16xf32>
        %parallel_loop3A_352 = arith.mulf %parallel_loop3A_349, %parallel_loop3A_351 : vector<16xf32>
        %parallel_loop3A_353 = arith.constant 0 : i32
        %parallel_loop3A_354 = arith.index_cast %parallel_loop3A_353 : i32 to index
        %parallel_loop3A_355 = arith.index_cast %parallel_loop3A_295 : i32 to index
        %parallel_loop3A_356 = arith.constant 48 : index
        %parallel_loop3A_357 = tpu.vector_load %arg9[%parallel_loop3A_354, %parallel_loop3A_355, %parallel_loop3A_356] {strides = array<i32>} : memref<2x50x128xf32, #tpu.memory_space<vmem>>, vector<1x1x16xf32>,
        %parallel_loop3A_358 = vector.shape_cast %parallel_loop3A_357 : vector<1x1x16xf32> to vector<16xf32>
        %parallel_loop3A_359 = vector.shape_cast %parallel_loop3A_352 : vector<16xf32> to vector<1x1x16xf32>
        tpu.vector_store %arg9[%parallel_loop3A_354, %parallel_loop3A_355, %parallel_loop3A_356], %parallel_loop3A_359 {strides = array<i32>} : memref<2x50x128xf32, #tpu.memory_space<vmem>>, vector<1x1x16xf32>,
        %parallel_loop3A_360 = arith.constant 1 : i32
        %parallel_loop3A_361 = arith.index_cast %parallel_loop3A_360 : i32 to index
        %parallel_loop3A_362 = arith.index_cast %parallel_loop3A_295 : i32 to index
        %parallel_loop3A_363 = arith.constant 0 : index
        %parallel_loop3A_364 = tpu.vector_load %arg9[%parallel_loop3A_361, %parallel_loop3A_362, %parallel_loop3A_363] {strides = array<i32>} : memref<2x50x128xf32, #tpu.memory_space<vmem>>, vector<1x1x16xf32>,
        %parallel_loop3A_365 = vector.shape_cast %parallel_loop3A_364 : vector<1x1x16xf32> to vector<16xf32>
        %parallel_loop3A_366 = arith.constant 8.000000e+00 : f32
        %parallel_loop3A_367 = vector.broadcast %parallel_loop3A_366 : f32 to vector<16xf32>
        %parallel_loop3A_368 = arith.mulf %parallel_loop3A_365, %parallel_loop3A_367 : vector<16xf32>
        %parallel_loop3A_369 = arith.constant 1 : i32
        %parallel_loop3A_370 = arith.index_cast %parallel_loop3A_369 : i32 to index
        %parallel_loop3A_371 = arith.index_cast %parallel_loop3A_295 : i32 to index
        %parallel_loop3A_372 = arith.constant 0 : index
        %parallel_loop3A_373 = tpu.vector_load %arg9[%parallel_loop3A_370, %parallel_loop3A_371, %parallel_loop3A_372] {strides = array<i32>} : memref<2x50x128xf32, #tpu.memory_space<vmem>>, vector<1x1x16xf32>,
        %parallel_loop3A_374 = vector.shape_cast %parallel_loop3A_373 : vector<1x1x16xf32> to vector<16xf32>
        %parallel_loop3A_375 = vector.shape_cast %parallel_loop3A_368 : vector<16xf32> to vector<1x1x16xf32>
        tpu.vector_store %arg9[%parallel_loop3A_370, %parallel_loop3A_371, %parallel_loop3A_372], %parallel_loop3A_375 {strides = array<i32>} : memref<2x50x128xf32, #tpu.memory_space<vmem>>, vector<1x1x16xf32>,
        %parallel_loop3A_376 = arith.constant 1 : i32
        %parallel_loop3A_377 = arith.index_cast %parallel_loop3A_376 : i32 to index
        %parallel_loop3A_378 = arith.index_cast %parallel_loop3A_295 : i32 to index
        %parallel_loop3A_379 = arith.constant 16 : index
        %parallel_loop3A_380 = tpu.vector_load %arg9[%parallel_loop3A_377, %parallel_loop3A_378, %parallel_loop3A_379] {strides = array<i32>} : memref<2x50x128xf32, #tpu.memory_space<vmem>>, vector<1x1x16xf32>,
        %parallel_loop3A_381 = vector.shape_cast %parallel_loop3A_380 : vector<1x1x16xf32> to vector<16xf32>
        %parallel_loop3A_382 = arith.constant 8.000000e+00 : f32
        %parallel_loop3A_383 = vector.broadcast %parallel_loop3A_382 : f32 to vector<16xf32>
        %parallel_loop3A_384 = arith.mulf %parallel_loop3A_381, %parallel_loop3A_383 : vector<16xf32>
        %parallel_loop3A_385 = arith.constant 1 : i32
        %parallel_loop3A_386 = arith.index_cast %parallel_loop3A_385 : i32 to index
        %parallel_loop3A_387 = arith.index_cast %parallel_loop3A_295 : i32 to index
        %parallel_loop3A_388 = arith.constant 16 : index
        %parallel_loop3A_389 = tpu.vector_load %arg9[%parallel_loop3A_386, %parallel_loop3A_387, %parallel_loop3A_388] {strides = array<i32>} : memref<2x50x128xf32, #tpu.memory_space<vmem>>, vector<1x1x16xf32>,
        %parallel_loop3A_390 = vector.shape_cast %parallel_loop3A_389 : vector<1x1x16xf32> to vector<16xf32>
        %parallel_loop3A_391 = vector.shape_cast %parallel_loop3A_384 : vector<16xf32> to vector<1x1x16xf32>
        tpu.vector_store %arg9[%parallel_loop3A_386, %parallel_loop3A_387, %parallel_loop3A_388], %parallel_loop3A_391 {strides = array<i32>} : memref<2x50x128xf32, #tpu.memory_space<vmem>>, vector<1x1x16xf32>,
        %parallel_loop3A_392 = arith.constant 1 : i32
        %parallel_loop3A_393 = arith.index_cast %parallel_loop3A_392 : i32 to index
        %parallel_loop3A_394 = arith.index_cast %parallel_loop3A_295 : i32 to index
        %parallel_loop3A_395 = arith.constant 32 : index
        %parallel_loop3A_396 = tpu.vector_load %arg9[%parallel_loop3A_393, %parallel_loop3A_394, %parallel_loop3A_395] {strides = array<i32>} : memref<2x50x128xf32, #tpu.memory_space<vmem>>, vector<1x1x16xf32>,
        %parallel_loop3A_397 = vector.shape_cast %parallel_loop3A_396 : vector<1x1x16xf32> to vector<16xf32>
        %parallel_loop3A_398 = arith.constant 8.000000e+00 : f32
        %parallel_loop3A_399 = vector.broadcast %parallel_loop3A_398 : f32 to vector<16xf32>
        %parallel_loop3A_400 = arith.mulf %parallel_loop3A_397, %parallel_loop3A_399 : vector<16xf32>
        %parallel_loop3A_401 = arith.constant 1 : i32
        %parallel_loop3A_402 = arith.index_cast %parallel_loop3A_401 : i32 to index
        %parallel_loop3A_403 = arith.index_cast %parallel_loop3A_295 : i32 to index
        %parallel_loop3A_404 = arith.constant 32 : index
        %parallel_loop3A_405 = tpu.vector_load %arg9[%parallel_loop3A_402, %parallel_loop3A_403, %parallel_loop3A_404] {strides = array<i32>} : memref<2x50x128xf32, #tpu.memory_space<vmem>>, vector<1x1x16xf32>,
        %parallel_loop3A_406 = vector.shape_cast %parallel_loop3A_405 : vector<1x1x16xf32> to vector<16xf32>
        %parallel_loop3A_407 = vector.shape_cast %parallel_loop3A_400 : vector<16xf32> to vector<1x1x16xf32>
        tpu.vector_store %arg9[%parallel_loop3A_402, %parallel_loop3A_403, %parallel_loop3A_404], %parallel_loop3A_407 {strides = array<i32>} : memref<2x50x128xf32, #tpu.memory_space<vmem>>, vector<1x1x16xf32>,
        %parallel_loop3A_408 = arith.constant 1 : i32
        %parallel_loop3A_409 = arith.index_cast %parallel_loop3A_408 : i32 to index
        %parallel_loop3A_410 = arith.index_cast %parallel_loop3A_295 : i32 to index
        %parallel_loop3A_411 = arith.constant 48 : index
        %parallel_loop3A_412 = tpu.vector_load %arg9[%parallel_loop3A_409, %parallel_loop3A_410, %parallel_loop3A_411] {strides = array<i32>} : memref<2x50x128xf32, #tpu.memory_space<vmem>>, vector<1x1x16xf32>,
        %parallel_loop3A_413 = vector.shape_cast %parallel_loop3A_412 : vector<1x1x16xf32> to vector<16xf32>
        %parallel_loop3A_414 = arith.constant 8.000000e+00 : f32
        %parallel_loop3A_415 = vector.broadcast %parallel_loop3A_414 : f32 to vector<16xf32>
        %parallel_loop3A_416 = arith.mulf %parallel_loop3A_413, %parallel_loop3A_415 : vector<16xf32>
        %parallel_loop3A_417 = arith.constant 1 : i32
        %parallel_loop3A_418 = arith.index_cast %parallel_loop3A_417 : i32 to index
        %parallel_loop3A_419 = arith.index_cast %parallel_loop3A_295 : i32 to index
        %parallel_loop3A_420 = arith.constant 48 : index
        %parallel_loop3A_421 = tpu.vector_load %arg9[%parallel_loop3A_418, %parallel_loop3A_419, %parallel_loop3A_420] {strides = array<i32>} : memref<2x50x128xf32, #tpu.memory_space<vmem>>, vector<1x1x16xf32>,
        %parallel_loop3A_422 = vector.shape_cast %parallel_loop3A_421 : vector<1x1x16xf32> to vector<16xf32>
        %parallel_loop3A_423 = vector.shape_cast %parallel_loop3A_416 : vector<16xf32> to vector<1x1x16xf32>
        tpu.vector_store %arg9[%parallel_loop3A_418, %parallel_loop3A_419, %parallel_loop3A_420], %parallel_loop3A_423 {strides = array<i32>} : memref<2x50x128xf32, #tpu.memory_space<vmem>>, vector<1x1x16xf32>,
      } {sc.loop_unroll_factor = 2 : i64, sc.parallel_access}
      %mul3A_286 = arith.constant 2 : i32
      %mul3A_287 = arith.muli %add3A_245, %mul3A_286 : i32
      %add3A_288 = arith.addi %mul3A_2, %mul3A_287 : i32
      %dma_start3A_289 = arith.constant 0 : i32
      %dma_start3A_290 = arith.constant 0 : i32
      %dma_start3A_291 = tpu.memref_slice %arg4[%add3A_288, %dma_start3A_289, %dma_start3A_290] : memref<4096x50x128xf32, #tpu.memory_space<hbm>> -> memref<2x50x128xf32, #tpu.memory_space<hbm>>
      %dma_start3A_292 = arith.constant 0 : i32
      %dma_start3A_293 = arith.constant 0 : i32
      %dma_start3A_294 = tpu.memref_slice %arg4[%add3A_288, %dma_start3A_292, %dma_start3A_293] : memref<4096x50x128xf32, #tpu.memory_space<hbm>> -> memref<2x50x128xf32, #tpu.memory_space<hbm>>
      tpu.enqueue_dma source(%arg9 : memref<2x50x128xf32, #tpu.memory_space<vmem>>) target(%dma_start3A_294 : memref<2x50x128xf32, #tpu.memory_space<hbm>>) target_semaphore(%arg17 : memref<!tpu.dma_semaphore, #tpu.memory_space<semaphore_mem>>)
    }
    %scan3A_54 = arith.constant 16 : i32
    %add3A_55 = arith.constant 120 : i32
    %add3A_56 = arith.addi %mul3A_2, %add3A_55 : i32
    %dma_wait3A = arith.constant 0 : i32
    %dma_wait3A_57 = arith.constant 0 : i32
    %dma_wait3A_58 = tpu.memref_slice %arg4[%add3A_56, %dma_wait3A, %dma_wait3A_57] : memref<4096x50x128xf32, #tpu.memory_space<hbm>> -> memref<2x50x128xf32, #tpu.memory_space<hbm>>
    %dma_wait3A_59 = arith.constant 0 : i32
    %dma_wait3A_60 = arith.constant 0 : i32
    %dma_wait3A_61 = tpu.memref_slice %arg4[%add3A_56, %dma_wait3A_59, %dma_wait3A_60] : memref<4096x50x128xf32, #tpu.memory_space<hbm>> -> memref<2x50x128xf32, #tpu.memory_space<hbm>>
    tpu.wait_dma2 semaphore(%arg14 : memref<!tpu.dma_semaphore, #tpu.memory_space<semaphore_mem>>) src(%arg6 : memref<2x50x128xf32, #tpu.memory_space<vmem>>) dst(%dma_wait3A_61 : memref<2x50x128xf32, #tpu.memory_space<hbm>>)
    %add3A_62 = arith.constant 122 : i32
    %add3A_63 = arith.addi %mul3A_2, %add3A_62 : i32
    %dma_wait3A_64 = arith.constant 0 : i32
    %dma_wait3A_65 = arith.constant 0 : i32
    %dma_wait3A_66 = tpu.memref_slice %arg4[%add3A_63, %dma_wait3A_64, %dma_wait3A_65] : memref<4096x50x128xf32, #tpu.memory_space<hbm>> -> memref<2x50x128xf32, #tpu.memory_space<hbm>>
    %dma_wait3A_67 = arith.constant 0 : i32
    %dma_wait3A_68 = arith.constant 0 : i32
    %dma_wait3A_69 = tpu.memref_slice %arg4[%add3A_63, %dma_wait3A_67, %dma_wait3A_68] : memref<4096x50x128xf32, #tpu.memory_space<hbm>> -> memref<2x50x128xf32, #tpu.memory_space<hbm>>
    tpu.wait_dma2 semaphore(%arg15 : memref<!tpu.dma_semaphore, #tpu.memory_space<semaphore_mem>>) src(%arg7 : memref<2x50x128xf32, #tpu.memory_space<vmem>>) dst(%dma_wait3A_69 : memref<2x50x128xf32, #tpu.memory_space<hbm>>)
    %add3A_70 = arith.constant 124 : i32
    %add3A_71 = arith.addi %mul3A_2, %add3A_70 : i32
    %dma_wait3A_72 = arith.constant 0 : i32
    %dma_wait3A_73 = arith.constant 0 : i32
    %dma_wait3A_74 = tpu.memref_slice %arg4[%add3A_71, %dma_wait3A_72, %dma_wait3A_73] : memref<4096x50x128xf32, #tpu.memory_space<hbm>> -> memref<2x50x128xf32, #tpu.memory_space<hbm>>
    %dma_wait3A_75 = arith.constant 0 : i32
    %dma_wait3A_76 = arith.constant 0 : i32
    %dma_wait3A_77 = tpu.memref_slice %arg4[%add3A_71, %dma_wait3A_75, %dma_wait3A_76] : memref<4096x50x128xf32, #tpu.memory_space<hbm>> -> memref<2x50x128xf32, #tpu.memory_space<hbm>>
    tpu.wait_dma2 semaphore(%arg16 : memref<!tpu.dma_semaphore, #tpu.memory_space<semaphore_mem>>) src(%arg8 : memref<2x50x128xf32, #tpu.memory_space<vmem>>) dst(%dma_wait3A_77 : memref<2x50x128xf32, #tpu.memory_space<hbm>>)
    %add3A_78 = arith.constant 126 : i32
    %add3A_79 = arith.addi %mul3A_2, %add3A_78 : i32
    %dma_wait3A_80 = arith.constant 0 : i32
    %dma_wait3A_81 = arith.constant 0 : i32
    %dma_wait3A_82 = tpu.memref_slice %arg4[%add3A_79, %dma_wait3A_80, %dma_wait3A_81] : memref<4096x50x128xf32, #tpu.memory_space<hbm>> -> memref<2x50x128xf32, #tpu.memory_space<hbm>>
    %dma_wait3A_83 = arith.constant 0 : i32
    %dma_wait3A_84 = arith.constant 0 : i32
    %dma_wait3A_85 = tpu.memref_slice %arg4[%add3A_79, %dma_wait3A_83, %dma_wait3A_84] : memref<4096x50x128xf32, #tpu.memory_space<hbm>> -> memref<2x50x128xf32, #tpu.memory_space<hbm>>
    tpu.wait_dma2 semaphore(%arg17 : memref<!tpu.dma_semaphore, #tpu.memory_space<semaphore_mem>>) src(%arg9 : memref<2x50x128xf32, #tpu.memory_space<vmem>>) dst(%dma_wait3A_85 : memref<2x50x128xf32, #tpu.memory_space<hbm>>)
    return
  }
}

</mosaic_0001>

<sc_bundles>
// kernel: kernel.3.cloned.1.call-start
scs
__scs_entry_jumppad:
0x0: {  	(pc) =	sbr.rel $0x88, $3  }
0x1: {  	(tag) =	ssettag $0x0;
	lr =	simm.s32 $0x1  }
0x2: {  	[smem:$0x3F9F] =	sst lr;
	_ =	strace $0xD0000000  }
0x3: {  	_ = 	snop  }
0x4: {  	_ = 	snop  }
0x5: {  	_ = 	snop  }
0x6: {  	_ = 	snop  }
0x7: {  	_ = 	snop  }
__scs_overlays_trampoline_lowered:
0x8: {  	[smem:$0x3FAE] =	sst s0  }
0x9: {  	[smem:$0x3FAF] =	sst s1  }
0xa: {  	[smem:$0x3FB0] =	sst s2  }
0xb: {  	[smem:$0x3FB1] =	sst s3  }
0xc: {  	[smem:$0x3FB2] =	sst s4  }
0xd: {  	[smem:$0x3FB3] =	sst s5  }
0xe: {  	[smem:$0x3FB4] =	sst s6  }
0xf: {  	[smem:$0x3FB5] =	sst s7  }
0x10: {  	[smem:$0x3FB6] =	sst s8  }
0x11: {  	[smem:$0x3FB7] =	sst s9;
	s0 =	simm.s32 @!p0 $0x0  }
0x12: {  	s1 =	sld [smem:$0x3F9D];
	s0 =	simm.s32 @p0 $0x1  }
0x13: {  	[smem:$0x3FB8] =	sst s0;
	s0 =	simm.s32 @!p1 $0x0  }
0x14: {  	s2 =	sld [smem:$0x3F9C];
	s0 =	simm.s32 @p1 $0x1  }
0x15: {  	[smem:$0x3FB9] =	sst s0;
	s0 =	simm.s32 @!p2 $0x0  }
0x16: {  	s3 =	sld [smem:$0x3FDB];
	s0 =	simm.s32 @p2 $0x1  }
0x17: {  	s4 =	simm.s32 $0x1BF5;
	[smem:$0x3FBB] =	sst s0  }
0x18: {  	s0 =	sld [smem:$0x3F9E];
	_ =	swait.ge [sflag:s4], $0x0  }
0x19: {  	s7 =	sld [smem:$0x3F9F]  }
0x1a: {  	s8 =	sadd.s32 $0xFFFFE003, lr  }
0x1b: {  	s9 =	sadd.s32 $0xFFFFFEF7, lr;
	s5 =	simm.s32 $0xFFFFFFFF;
	p2 =	slt.u32 s8, $0xFFFFF086  }
0x1c: {  	p1 =	slt.u32 s9, $0xF7A;
	s5 =	simm.s32 @!p2 $0x0  }
0x1d: {  	s5 =	simm.s32 @p1 $0x1;
	p0 =	seq.s32 s7, s2  }
0x1e: {  	s7 =	smul.u32 @!p0 $0xF7A, s2;
	p2 =	seq.s32 @!p0 s5, $0x0  }
0x1f: {  	s9 =	smul.u32 $0xF7A, s1;
	s8 =	simm.s32 @!p0 $0x1BF5;
	p2 =	por !p2, p0  }
0x20: {  	[sflag:s8] =	ssyncset.s32 @!p0 $0xFFFFF086;
	s6 =	sadd.s32 @!p0 s3, s7;
	s7 =	simm.s32 @!p0 $0x108  }
0x21: {  	s3 =	sadd.s32 s3, s9;
	s6 =	sadd.s32 @!p0 $0x88, s6;
	s7 =	simm.s32 @p2 $0x1082  }
0x22: {  	[simem:s7], [sflag:s8] =	dma.local @!p0 [hbm:s6], $0xF7A  }
0x23: {  	s9 =	sor.u32 $0xD0000000, s2;
	s6 =	simm.s32 $0x108;
	_ =	swait.ge @!p0 [sflag:s8], $0x0  }
0x24: {  	s3 =	sadd.s32 $0x88, s3;
	s6 =	simm.s32 @!p1 $0x1082;
	[sflag:s4] =	ssyncset.s32 $0xFFFFF086  }
0x25: {  	[simem:s6], [sflag:s4] =	dma.local [hbm:s3], $0xF7A  }
0x26: {  	[smem:$0x3F9F] =	sst s1;
	(tag) =	ssettag s2;
	_ =	strace s9  }
0x27: {  	s1 =	sld [smem:$0x3FAF]  }
0x28: {  	s2 =	sld [smem:$0x3FB0]  }
0x29: {  	s4 =	sld [smem:$0x3FB2]  }
0x2a: {  	p0 =	seq.s32 s5, $0x0;
	s5 =	sld [smem:$0x3FB3]  }
0x2b: {  	s6 =	sld [smem:$0x3FB4]  }
0x2c: {  	s7 =	sld [smem:$0x3FB5]  }
0x2d: {  	s3 =	simm.s32 $0x108;
	s8 =	sld [smem:$0x3FB6]  }
0x2e: {  	s3 =	simm.s32 @!p0 $0x1082;
	s9 =	sld [smem:$0x3FB7]  }
0x2f: {  	lr =	sadd.s32 s0, s3;
	s0 =	sld [smem:$0x3FAE]  }
0x30: {  	s3 =	sld [smem:$0x3FB1]  }
0x31: {  	[smem:$0x3FBA] =	sst s10  }
0x32: {  	s10 =	sld [smem:$0x3FB8];
	_ =	sdelay $0x3  }
0x33: {  	p0 =	seq.s32 s10, $0x1;
	s10 =	sld [smem:$0x3FBA];
	_ =	sdelay $0x3  }
0x34: {  	[smem:$0x3FBA] =	sst s10  }
0x35: {  	s10 =	sld [smem:$0x3FB9];
	_ =	sdelay $0x3  }
0x36: {  	p1 =	seq.s32 s10, $0x1;
	s10 =	sld [smem:$0x3FBA];
	_ =	sdelay $0x3  }
0x37: {  	[smem:$0x3FBA] =	sst s10  }
0x38: {  	s10 =	sld [smem:$0x3FBB]  }
0x39: {  	_ = 	snop;
	(pc) =	sbr.ind lr, $3  }
0x3a: {  	_ = 	snop  }
0x3b: {  	_ = 	snop  }
0x3c: {  	p2 =	seq.s32 s10, $0x1;
	s10 =	sld [smem:$0x3FBA]  }
0x3d: {  	_ =	shalt  }
0x3e: {  	_ =	shalt  }
0x3f: {  	_ =	shalt  }
0x40: {  	_ =	shalt  }
0x41: {  	_ =	shalt  }
0x42: {  	_ =	shalt  }
0x43: {  	_ =	shalt  }
0x44: {  	_ =	shalt  }
0x45: {  	_ =	shalt  }
0x46: {  	_ =	shalt  }
0x47: {  	_ =	shalt  }
0x48: {  	_ =	shalt  }
0x49: {  	_ =	shalt  }
0x4a: {  	_ =	shalt  }
0x4b: {  	_ =	shalt  }
0x4c: {  	_ =	shalt  }
0x4d: {  	_ =	shalt  }
0x4e: {  	_ =	shalt  }
0x4f: {  	_ =	shalt  }
0x50: {  	_ =	shalt  }
0x51: {  	_ =	shalt  }
0x52: {  	_ =	shalt  }
0x53: {  	_ =	shalt  }
0x54: {  	_ =	shalt  }
0x55: {  	_ =	shalt  }
0x56: {  	_ =	shalt  }
0x57: {  	_ =	shalt  }
0x58: {  	_ =	shalt  }
0x59: {  	_ =	shalt  }
0x5a: {  	_ =	shalt  }
0x5b: {  	_ =	shalt  }
0x5c: {  	_ =	shalt  }
0x5d: {  	_ =	shalt  }
0x5e: {  	_ =	shalt  }
0x5f: {  	_ =	shalt  }
0x60: {  	_ =	shalt  }
0x61: {  	_ =	shalt  }
0x62: {  	_ =	shalt  }
0x63: {  	_ =	shalt  }
0x64: {  	_ =	shalt  }
0x65: {  	_ =	shalt  }
0x66: {  	_ =	shalt  }
0x67: {  	_ =	shalt  }
0x68: {  	_ =	shalt  }
0x69: {  	_ =	shalt  }
0x6a: {  	_ =	shalt  }
0x6b: {  	_ =	shalt  }
0x6c: {  	_ =	shalt  }
0x6d: {  	_ =	shalt  }
0x6e: {  	_ =	shalt  }
0x6f: {  	_ =	shalt  }
0x70: {  	_ =	shalt  }
0x71: {  	_ =	shalt  }
0x72: {  	_ =	shalt  }
0x73: {  	_ =	shalt  }
0x74: {  	_ =	shalt  }
0x75: {  	_ =	shalt  }
0x76: {  	_ =	shalt  }
0x77: {  	_ =	shalt  }
0x78: {  	_ =	shalt  }
0x79: {  	_ =	shalt  }
0x7a: {  	_ =	shalt  }
0x7b: {  	_ =	shalt  }
0x7c: {  	_ =	shalt  }
0x7d: {  	_ =	shalt  }
0x7e: {  	_ =	shalt  }
0x7f: {  	_ =	shalt  }
0x80: {  	_ =	shalt  }
0x81: {  	_ =	shalt  }
0x82: {  	_ =	shalt  }
0x83: {  	_ =	shalt  }
0x84: {  	_ =	shalt  }
0x85: {  	_ =	shalt  }
0x86: {  	_ =	shalt  }
0x87: {  	_ =	shalt  }
.Lfunc_end0:
.L_simem_size_0:
called_computation.1_lowered:
.L_overlay_start_0:
0x88: {  	s2 =	sld [smem:$0x3FD9]  }
0x89: {  	s3 =	sld [smem:$0x3FFE];
	_ =	sdelay $0x1  }
0x8a: {  	s1 =	srdreg.scid  }
0x8b: {  	s0 =	sand.u32 $0x1, s1  }
0x8c: {  	s16 =	sshll.u32 s0, $0xA;
	s2 =	sadd.s32 s3, s2  }
0x8d: {  	s2 =	sadd.s32 s2, s16  }
0x8e: {  	[smem:$0x3FC6] =	sst s2  }
0x8f: {  	_ = 	snop  }
0x90: {  	(tm) =	ssettm $0x1  }
0x91: {  	s17 =	sld [smem:$0x3FFB];
	_ =	sdelay $0x3  }
0x92: {  	_ =	strace s17  }
0x93: {  	s2 =	sld [smem:$0x3FFC];
	_ =	sdelay $0x3  }
0x94: {  	_ =	strace s2  }
0x95: {  	s2 =	sld [smem:$0x3FFD];
	_ =	sdelay $0x3  }
0x96: {  	_ =	strace s2  }
0x97: {  	_ =	strace $0x8FFFFFFF  }
0x98: {  	s18 =	sld [smem:$0x3FDB];
	_ =	sdelay $0x1  }
0x99: {  	s19 =	simm.s32 $_scs_section_size  }
0x9a: {  	s4 =	simm.s32 $_size__tile_overlayer_lowered;
	s5 =	simm.s32 $_tile_overlayer_lowered  }
0x9b: {  	s22 =	simm.s32 $0x1BFF;
	s21 =	sshll.u32 s5, $0x1;
	s2 =	sadd.s32 s19, s18  }
0x9c: {  	s6 =	simm.s32 $0x0;
	s20 =	sshll.u32 s4, $0x1;
	s4 =	sadd.s32 s21, s2  }
0x9d: {  	[timem:s6], [sflag:s22] =	dma.local [hbm:s4], s20  }
0x9e: {  	_ =	swait.ge [sflag:s22], s20  }
0x9f: {  	s3 =	ssub.s32 $0x0, s20;
	[sflag:s22] =	ssyncset.done $0x0  }
0xa0: {  	[sflag:s22] =	ssyncadd.s32 s3;
	_ =	sdelay $0x1  }
0xa1: {  	s23 =	simm.s32 $0x1B8B  }
0xa2: {  	_ =	swait.ge [sflag:s23], $0x1  }
0xa3: {  	[sflag:s23] =	ssyncset.done $0x0  }
0xa4: {  	s25 =	simm.s32 $0x1B8E;
	s24 =	sld [smem:$0x3FFE];
	[sflag:s23] =	ssyncadd.s32 $0xFFFFFFFF  }
0xa5: {  	s26 =	simm.s32 $execute0_lowered;
	[smem:$0x3FD2] =	sst s25  }
0xa6: {  	s4 =	sshll.u32 s26, $0x1;
	_ =	strace $0x80000046;
	[dreg:$0x1] =	wrdreg $0xFFFFFFFF  }
0xa7: {  	s28 =	simm.s32 $_size_execute0_lowered;
	s2 =	sadd.s32 s2, s4;
	[dreg:$0x0] =	wrdreg $0x0  }
0xa8: {  	s4 =	sshll.u32 s28, $0x1;
	[dreg:$0x2] =	wrdreg s2  }
0xa9: {  	[dreg:$0x3] =	wrdreg s4  }
0xaa: {  	[dreg:$0x4] =	wrdreg $0xC0  }
0xab: {  	_ =	task [dreg:s6], $0x5FFFF  }
0xac: {  	[dreg:$0x1] =	wrdreg $0xFFFFFFFF  }
0xad: {  	[dreg:$0x0] =	wrdreg $0x60  }
0xae: {  	[dreg:$0x2] =	wrdreg s24  }
0xaf: {  	[dreg:$0x3] =	wrdreg $0x9  }
0xb0: {  	_ =	task.clear_ibuf [dreg:s6], $0x4FFFF;
	_ =	strace $0x90000046  }
0xb1: {  	s29 =	simm.s32 $0x9;
	_ =	strace $0x80000048  }
0xb2: {  	_ =	swait.ge [sflag:s29], $0x1  }
0xb3: {  	[sflag:s29] =	ssyncadd.s32 $0xFFFFFFFF  }
0xb4: {  	_ =	strace $0x90000048  }
0xb5: {  	_ =	sfence  }
0xb6: {  	s30 =	sld [smem:$0x0];
	_ =	sdelay $0x2  }
0xb7: {  	s31 =	sshll.u32 s1, $0xD;
	s1 =	sshrl.u32 s1, $0x2  }
0xb8: {  	s3 =	sand.u32 $0x4000, s31;
	s1 =	sadd.s32 s1, s30  }
0xb9: {  	s0 =	sor.u32 s3, s0;
	s1 =	sshll.u32 s1, $0x11  }
0xba: {  	s0 =	sor.u32 s1, s0  }
0xbb: {  	s0 =	sadd.s32 $0x8F2B, s0  }
0xbc: {  	[sflag:s0] =	ssyncadd.remote.s32 $0x1  }
0xbd: {  	_ =	sfence.sel $0xFFFF  }
0xbe: {  	[dreg:$0x0] =	wrdreg $0xFFFFFFFF;
	(pc) =	sbr.abs _section_cstart, $3  }
0xbf: {  	[dreg:$0x1] =	wrdreg $0xFFFFFFFF  }
0xc0: {  	_ =	task.clear_ibuf [dreg:s6], $0x2FFFF;
	_ =	strace $0x9FFFFFFF  }
0xc1: {  	(tm) =	ssettm $0x7FFFFFFF  }
tec
execute0_lowered:
.L_overlay_start_1:
0x0: {  	(tag) =	ssettag $0x1  }
0x1: {  	s0 =	rddreg [dreg:$0x0];
	s1 =	srdreg.scid;
	s2 =	simm.s32 $0x0  }
0x2: {  	s3 =	stileid.u32;
	s8 =	simm.s32 $0x9;
	s9 =	simm.s32 $0x32  }
0x3: {  	s10 =	simm.s32 $0x4000;
	s12 =	simm.s32 $0x5C00;
	s14 =	simm.s32 $0x7800  }
0x4: {  	s16 =	simm.s32 $0x9400;
	s17 =	simm.s32 $0xB000;
	s18 =	simm.s32 $0xCC00  }
0x5: {  	s19 =	simm.s32 $0x1;
	s20 =	simm.s32 $0xE800;
	s21 =	simm.s32 $0x10400  }
0x6: {  	s22 =	simm.s32 $0x2;
	s23 =	simm.s32 $0x3;
	s24 =	simm.s32 $0x4  }
0x7: {  	s25 =	simm.s32 $0x5;
	s28 =	simm.s32 $0x7;
	s1 =	sand.u32 $0x1, s1  }
0x8: {  	s29 =	simm.s32 $0x8;
	s3 =	sshll.u32 s3, $0x8;
	s4 =	sshll.u32 s1, $0x7  }
0x9: {  	s30 =	simm.s32 $0x0;
	[smem:$0x7FF] =	sst s2;
	s3 =	sor.u32 s4, s3  }
0xa: {  	_ =	strace $0x80000047;
	s1 =	ssub.s32 $0x2, s1;
	s5 =	sshll.u32 s3, $0x4  }
0xb: {  	s4 =	sadd.s32 $0x10800, s0;
	s6 =	sshrl.u32 s1, $0x1;
	s7 =	sadd.s32 s5, s0  }
0xc: {  	s26 =	ssub.s32 s1, s6;
	s5 =	sadd.s32 $0x197200, s0;
	s31 =	sadd.s32 $0x800, s7  }
0xd: {  	s7 =	smax.u32 s26, $0x1;
	s26 =	simm.s32 $0x6;
	[dreg:$0x2] =	wrdreg s31  }
.LBB2_1:
0xe: {  	s0 =	rddreg [dreg:$0x2]  }
0xf: {  	[tilespmem:s2], [sflag:$0x9] =	stream.linear.gather [hbm4b:s0+s2], $0x4000, $0x38;
	[tilespmem:$0x12000] =	vst v63  }
0x10: {  	_ =	swait.ge [sflag:s8], $0x4000  }
0x11: {  	[sflag:s8] =	ssyncset.done $0x0  }
0x12: {  	[sflag:s8] =	ssyncadd.s32 $0xFFFFC000  }
0x13: {  	[tilespmem:s10], [sflag:$0x1] =	stream.indirect.gather [hbm4b:s4+s9], $0x80, s2, s9, $0xb8;
	[tilespmem:$0x12000] =	vst v63  }
0x14: {  	s11 =	simm.s32 $0x80  }
0x15: {  	[tilespmem:s12], [sflag:$0x1] =	stream.indirect.gather [hbm4b:s4+s9], $0x80, s11, s9, $0xb8;
	[tilespmem:$0x12000] =	vst v63  }
0x16: {  	s13 =	simm.s32 $0x100  }
0x17: {  	[tilespmem:s14], [sflag:$0x2] =	stream.indirect.gather [hbm4b:s4+s9], $0x80, s13, s9, $0xb8;
	[tilespmem:$0x12000] =	vst v63  }
0x18: {  	s15 =	simm.s32 $0x180;
	s31 =	simm.s32 $0x0  }
0x19: {  	[tilespmem:s16], [sflag:$0x2] =	stream.indirect.gather [hbm4b:s4+s9], $0x80, s15, s9, $0xb8;
	[tilespmem:$0x12000] =	vst v63  }
.LBB2_2:
0x1a: {  	p0 =	seq.s32 s31, $0x0  }
0x1b: {  	s0 =	sshll.u32 s31, $0x2;
	s6 =	simm.s32 @!p0 $0x7  }
0x1c: {  	s1 =	sor.u32 $0x2, s0;
	_ =	swait.ge @!p0 [sflag:s6], $0x3200  }
0x1d: {  	s11 =	sshll.u32 s1, $0x8;
	[sflag:s6] =	ssyncset.done @!p0 $0x0  }
0x1e: {  	s15 =	sand.u32 $0x3FFFFF00, s11;
	[sflag:s6] =	ssyncadd.s32 @!p0 $0xFFFFCE00  }
0x1f: {  	[tilespmem:s17], [sflag:$0x3] =	stream.indirect.gather [hbm4b:s4+s9], $0x80, s15, s9, $0xb8;
	[tilespmem:$0x12000] =	vst v63  }
0x20: {  	s6 =	sor.u32 $0x80, s15  }
0x21: {  	[tilespmem:s18], [sflag:$0x3] =	stream.indirect.gather [hbm4b:s4+s9], $0x80, s6, s9, $0xb8;
	[tilespmem:$0x12000] =	vst v63  }
0x22: {  	_ =	swait.ge [sflag:s19], $0x1900  }
0x23: {  	[sflag:s19] =	ssyncset.done $0x0  }
0x24: {  	[sflag:s19] =	ssyncadd.s32 $0xFFFFE700  }
0x25: {  	_ =	swait.ge [sflag:s19], $0x1900  }
0x26: {  	[sflag:s19] =	ssyncset.done $0x0  }
0x27: {  	s13 =	simm.s32 $0x5CB0;
	[sflag:s19] =	ssyncadd.s32 $0xFFFFE700  }
0x28: {  	v0 =	vld [tilespmem:s13+$0x0]  }
0x29: {  	v1 =	vld [tilespmem:s13+$0xFFFFE360]  }
0x2a: {  	v2 =	vld [tilespmem:s13+$0xFFFFE370]  }
0x2b: {  	v3 =	vld [tilespmem:s13+$0xFFFFE380]  }
0x2c: {  	v4 =	vld [tilespmem:s13+$0xFFFFFF50]  }
0x2d: {  	v5 =	vld [tilespmem:s13+$0xFFFFFF60];
	v0 =	vmul.f32 $8.000000000e+00, v0  }
0x2e: {  	v6 =	vld [tilespmem:s13+$0xFFFFFF70];
	v1 =	vmul.f32 $8.000000000e+00, v1  }
0x2f: {  	v7 =	vld [tilespmem:s13+$0xFFFFFF80];
	v2 =	vmul.f32 $8.000000000e+00, v2;
	[tilespmem:s13+$0x0] =	vst v0  }
0x30: {  	[tilespmem:s13+$0xFFFFE360] =	vst v1;
	v0 =	vmul.f32 $8.000000000e+00, v3;
	v3 =	vld [tilespmem:s13+$0xFFFFE3D0]  }
0x31: {  	v8 =	vld [tilespmem:s13+$0xFFFFE3E0];
	[tilespmem:s13+$0xFFFFE370] =	vst v2;
	v1 =	vmul.f32 $8.000000000e+00, v4  }
0x32: {  	v9 =	vld [tilespmem:s13+$0xFFFFE3F0];
	v2 =	vmul.f32 $8.000000000e+00, v5;
	[tilespmem:s13+$0xFFFFE380] =	vst v0  }
0x33: {  	v4 =	vmul.f32 $8.000000000e+00, v6;
	[tilespmem:s13+$0xFFFFFF50] =	vst v1;
	v0 =	vld [tilespmem:s13+$0xFFFFE400]  }
0x34: {  	[tilespmem:s13+$0xFFFFFF60] =	vst v2;
	v2 =	vmul.f32 $8.000000000e+00, v7;
	v1 =	vld [tilespmem:s13+$0xFFFFFFD0]  }
0x35: {  	[tilespmem:s13+$0xFFFFFF70] =	vst v4;
	v4 =	vld [tilespmem:s13+$0xFFFFFFE0];
	v6 =	vmul.f32 $8.000000000e+00, v3  }
0x36: {  	v5 =	vmul.f32 $8.000000000e+00, v8;
	[tilespmem:s13+$0xFFFFFF80] =	vst v2;
	v2 =	vld [tilespmem:s13+$0xFFFFFFF0]  }
0x37: {  	s11 =	simm.s32 $0x0;
	s15 =	simm.s32 $0x5DB0;
	v3 =	vld [tilespmem:s13+$0xFFFFE350];
	[tilespmem:s13+$0xFFFFE3D0] =	vst v6;
	v6 =	vmul.f32 $8.000000000e+00, v9  }
.LBB2_3:
0x38: {  	v7 =	vld [tilespmem:s15+$0x0];
	s11 =	sadd.s32 $0x2, s11;
	[tilespmem:s13+$0xFFFFE3E0] =	vst v5;
	v0 =	vmul.f32 $8.000000000e+00, v0  }
0x39: {  	v5 =	vld [tilespmem:s15+$0xFFFFE360];
	p1 =	slt.u32 s11, $0x30;
	[tilespmem:s13+$0xFFFFE3F0] =	vst v6;
	v1 =	vmul.f32 $8.000000000e+00, v1  }
0x3a: {  	v6 =	vld [tilespmem:s15+$0xFFFFE370];
	[tilespmem:s13+$0xFFFFE400] =	vst v0;
	v0 =	vmul.f32 $8.000000000e+00, v4  }
0x3b: {  	v4 =	vld [tilespmem:s15+$0xFFFFE380];
	[tilespmem:s13+$0xFFFFFFD0] =	vst v1;
	v1 =	vmul.f32 $8.000000000e+00, v2  }
0x3c: {  	v2 =	vld [tilespmem:s15+$0xFFFFFF50];
	v3 =	vmul.f32 $8.000000000e+00, v3;
	[tilespmem:s13+$0xFFFFFFE0] =	vst v0  }
0x3d: {  	v0 =	vld [tilespmem:s15+$0xFFFFFF60];
	v7 =	vmul.f32 $8.000000000e+00, v7;
	[tilespmem:s13+$0xFFFFFFF0] =	vst v1  }
0x3e: {  	v1 =	vmul.f32 $8.000000000e+00, v5;
	v5 =	vld [tilespmem:s15+$0xFFFFFF70];
	[tilespmem:s13+$0xFFFFE350] =	vst v3;
	s13 =	smov.u32 s15  }
0x3f: {  	v3 =	vmul.f32 $8.000000000e+00, v6;
	v6 =	vld [tilespmem:s15+$0xFFFFFF80];
	[tilespmem:s15+$0x0] =	vst v7  }
0x40: {  	[tilespmem:s15+$0xFFFFE360] =	vst v1;
	v1 =	vmul.f32 $8.000000000e+00, v4;
	v4 =	vld [tilespmem:s15+$0xFFFFE3D0]  }
0x41: {  	[tilespmem:s15+$0xFFFFE370] =	vst v3;
	v2 =	vmul.f32 $8.000000000e+00, v2;
	v3 =	vld [tilespmem:s15+$0xFFFFE3E0]  }
0x42: {  	[tilespmem:s15+$0xFFFFE380] =	vst v1;
	v1 =	vmul.f32 $8.000000000e+00, v0;
	v7 =	vld [tilespmem:s15+$0xFFFFE3F0]  }
.Ltmp0:
0x43: {  	[tilespmem:s15+$0xFFFFFF50] =	vst v2;
	v2 =	vmul.f32 $8.000000000e+00, v5;
	v0 =	vld [tilespmem:s15+$0xFFFFE400];
	(pc) =	sbr.rel @p1 .LBB2_3-.Ltmp0, $4  }
0x44: {  	[tilespmem:s15+$0xFFFFFF60] =	vst v1;
	v5 =	vmul.f32 $8.000000000e+00, v6;
	v1 =	vld [tilespmem:s15+$0xFFFFFFD0]  }
0x45: {  	[tilespmem:s15+$0xFFFFFF70] =	vst v2;
	v6 =	vmul.f32 $8.000000000e+00, v4;
	v4 =	vld [tilespmem:s15+$0xFFFFFFE0]  }
0x46: {  	[tilespmem:s15+$0xFFFFFF80] =	vst v5;
	v5 =	vmul.f32 $8.000000000e+00, v3;
	v2 =	vld [tilespmem:s15+$0xFFFFFFF0]  }
0x47: {  	s15 =	sadd.s32 $0x100, s15;
	v3 =	vld [tilespmem:s13+$0xFFFFE350];
	[tilespmem:s13+$0xFFFFE3D0] =	vst v6;
	v6 =	vmul.f32 $8.000000000e+00, v7  }
0x48: {  	[tilespmem:s13+$0xFFFFE3E0] =	vst v5;
	v0 =	vmul.f32 $8.000000000e+00, v0  }
0x49: {  	[tilespmem:s13+$0xFFFFE3F0] =	vst v6;
	v1 =	vmul.f32 $8.000000000e+00, v1  }
0x4a: {  	s11 =	sshll.u32 s31, $0x3;
	[tilespmem:s13+$0xFFFFE400] =	vst v0;
	v0 =	vmul.f32 $8.000000000e+00, v4  }
0x4b: {  	s6 =	sadd.s32 s3, s11;
	[tilespmem:s13+$0xFFFFFFD0] =	vst v1;
	v1 =	vmul.f32 $8.000000000e+00, v2  }
0x4c: {  	s6 =	smul.u32 $0x380, s6;
	v2 =	vmul.f32 $8.000000000e+00, v3;
	[tilespmem:s13+$0xFFFFFFE0] =	vst v0  }
0x4d: {  	[tilespmem:s13+$0xFFFFFFF0] =	vst v1  }
0x4e: {  	s6 =	sadd.s32 s5, s6;
	[tilespmem:s13+$0xFFFFE350] =	vst v2  }
0x4f: {  	[hbm4b:s6+s2] =	stream.linear.scatter [tilespmem:s10], [sflag:$0x5], $0x1900, $0x38;
	[tilespmem:$0x12000] =	vst v63  }
0x50: {  	s6 =	sadd.s32 $0x380, s6  }
0x51: {  	[hbm4b:s6+s2] =	stream.linear.scatter [tilespmem:s12], [sflag:$0x5], $0x1900, $0x38;
	[tilespmem:$0x12000] =	vst v63  }
0x52: {  	s6 =	simm.s32 @!p0 $0x8  }
0x53: {  	s0 =	sor.u32 $0x3, s0;
	_ =	swait.ge @!p0 [sflag:s6], $0x3200  }
0x54: {  	s15 =	sshll.u32 s0, $0x8;
	[sflag:s6] =	ssyncset.done @!p0 $0x0  }
0x55: {  	s15 =	sand.u32 $0x3FFFFF00, s15;
	[sflag:s6] =	ssyncadd.s32 @!p0 $0xFFFFCE00  }
0x56: {  	[tilespmem:s20], [sflag:$0x4] =	stream.indirect.gather [hbm4b:s4+s9], $0x80, s15, s9, $0xb8;
	[tilespmem:$0x12000] =	vst v63  }
0x57: {  	s6 =	sor.u32 $0x80, s15  }
0x58: {  	[tilespmem:s21], [sflag:$0x4] =	stream.indirect.gather [hbm4b:s4+s9], $0x80, s6, s9, $0xb8;
	[tilespmem:$0x12000] =	vst v63  }
0x59: {  	_ =	swait.ge [sflag:s22], $0x1900  }
0x5a: {  	[sflag:s22] =	ssyncset.done $0x0  }
0x5b: {  	[sflag:s22] =	ssyncadd.s32 $0xFFFFE700  }
0x5c: {  	_ =	swait.ge [sflag:s22], $0x1900  }
0x5d: {  	[sflag:s22] =	ssyncset.done $0x0  }
0x5e: {  	s13 =	simm.s32 $0x94B0;
	[sflag:s22] =	ssyncadd.s32 $0xFFFFE700  }
0x5f: {  	v0 =	vld [tilespmem:s13+$0x0]  }
0x60: {  	v1 =	vld [tilespmem:s13+$0xFFFFE360]  }
0x61: {  	v2 =	vld [tilespmem:s13+$0xFFFFE370]  }
0x62: {  	v3 =	vld [tilespmem:s13+$0xFFFFE380]  }
0x63: {  	v4 =	vld [tilespmem:s13+$0xFFFFFF50]  }
0x64: {  	v5 =	vld [tilespmem:s13+$0xFFFFFF60];
	v0 =	vmul.f32 $8.000000000e+00, v0  }
0x65: {  	v6 =	vld [tilespmem:s13+$0xFFFFFF70];
	v1 =	vmul.f32 $8.000000000e+00, v1  }
0x66: {  	v7 =	vld [tilespmem:s13+$0xFFFFFF80];
	v2 =	vmul.f32 $8.000000000e+00, v2;
	[tilespmem:s13+$0x0] =	vst v0  }
0x67: {  	[tilespmem:s13+$0xFFFFE360] =	vst v1;
	v0 =	vmul.f32 $8.000000000e+00, v3;
	v3 =	vld [tilespmem:s13+$0xFFFFE3D0]  }
0x68: {  	v8 =	vld [tilespmem:s13+$0xFFFFE3E0];
	[tilespmem:s13+$0xFFFFE370] =	vst v2;
	v1 =	vmul.f32 $8.000000000e+00, v4  }
0x69: {  	v9 =	vld [tilespmem:s13+$0xFFFFE3F0];
	v2 =	vmul.f32 $8.000000000e+00, v5;
	[tilespmem:s13+$0xFFFFE380] =	vst v0  }
0x6a: {  	v4 =	vmul.f32 $8.000000000e+00, v6;
	[tilespmem:s13+$0xFFFFFF50] =	vst v1;
	v0 =	vld [tilespmem:s13+$0xFFFFE400]  }
0x6b: {  	[tilespmem:s13+$0xFFFFFF60] =	vst v2;
	v2 =	vmul.f32 $8.000000000e+00, v7;
	v1 =	vld [tilespmem:s13+$0xFFFFFFD0]  }
0x6c: {  	[tilespmem:s13+$0xFFFFFF70] =	vst v4;
	v4 =	vld [tilespmem:s13+$0xFFFFFFE0];
	v6 =	vmul.f32 $8.000000000e+00, v3  }
0x6d: {  	v5 =	vmul.f32 $8.000000000e+00, v8;
	[tilespmem:s13+$0xFFFFFF80] =	vst v2;
	v2 =	vld [tilespmem:s13+$0xFFFFFFF0]  }
0x6e: {  	s15 =	simm.s32 $0x0;
	s6 =	simm.s32 $0x95B0;
	v3 =	vld [tilespmem:s13+$0xFFFFE350];
	[tilespmem:s13+$0xFFFFE3D0] =	vst v6;
	v6 =	vmul.f32 $8.000000000e+00, v9  }
.LBB2_5:
0x6f: {  	v7 =	vld [tilespmem:s6+$0x0];
	s15 =	sadd.s32 $0x2, s15;
	[tilespmem:s13+$0xFFFFE3E0] =	vst v5;
	v0 =	vmul.f32 $8.000000000e+00, v0  }
0x70: {  	v5 =	vld [tilespmem:s6+$0xFFFFE360];
	p0 =	slt.u32 s15, $0x30;
	[tilespmem:s13+$0xFFFFE3F0] =	vst v6;
	v1 =	vmul.f32 $8.000000000e+00, v1  }
0x71: {  	v6 =	vld [tilespmem:s6+$0xFFFFE370];
	[tilespmem:s13+$0xFFFFE400] =	vst v0;
	v0 =	vmul.f32 $8.000000000e+00, v4  }
0x72: {  	v4 =	vld [tilespmem:s6+$0xFFFFE380];
	[tilespmem:s13+$0xFFFFFFD0] =	vst v1;
	v1 =	vmul.f32 $8.000000000e+00, v2  }
0x73: {  	v2 =	vld [tilespmem:s6+$0xFFFFFF50];
	v3 =	vmul.f32 $8.000000000e+00, v3;
	[tilespmem:s13+$0xFFFFFFE0] =	vst v0  }
0x74: {  	v0 =	vld [tilespmem:s6+$0xFFFFFF60];
	v7 =	vmul.f32 $8.000000000e+00, v7;
	[tilespmem:s13+$0xFFFFFFF0] =	vst v1  }
0x75: {  	v1 =	vmul.f32 $8.000000000e+00, v5;
	v5 =	vld [tilespmem:s6+$0xFFFFFF70];
	[tilespmem:s13+$0xFFFFE350] =	vst v3;
	s13 =	smov.u32 s6  }
0x76: {  	v3 =	vmul.f32 $8.000000000e+00, v6;
	v6 =	vld [tilespmem:s6+$0xFFFFFF80];
	[tilespmem:s6+$0x0] =	vst v7  }
0x77: {  	[tilespmem:s6+$0xFFFFE360] =	vst v1;
	v1 =	vmul.f32 $8.000000000e+00, v4;
	v4 =	vld [tilespmem:s6+$0xFFFFE3D0]  }
0x78: {  	[tilespmem:s6+$0xFFFFE370] =	vst v3;
	v2 =	vmul.f32 $8.000000000e+00, v2;
	v3 =	vld [tilespmem:s6+$0xFFFFE3E0]  }
0x79: {  	[tilespmem:s6+$0xFFFFE380] =	vst v1;
	v1 =	vmul.f32 $8.000000000e+00, v0;
	v7 =	vld [tilespmem:s6+$0xFFFFE3F0]  }
.Ltmp1:
0x7a: {  	[tilespmem:s6+$0xFFFFFF50] =	vst v2;
	v2 =	vmul.f32 $8.000000000e+00, v5;
	v0 =	vld [tilespmem:s6+$0xFFFFE400];
	(pc) =	sbr.rel @p0 .LBB2_5-.Ltmp1, $4  }
0x7b: {  	[tilespmem:s6+$0xFFFFFF60] =	vst v1;
	v5 =	vmul.f32 $8.000000000e+00, v6;
	v1 =	vld [tilespmem:s6+$0xFFFFFFD0]  }
0x7c: {  	[tilespmem:s6+$0xFFFFFF70] =	vst v2;
	v6 =	vmul.f32 $8.000000000e+00, v4;
	v4 =	vld [tilespmem:s6+$0xFFFFFFE0]  }
0x7d: {  	[tilespmem:s6+$0xFFFFFF80] =	vst v5;
	v5 =	vmul.f32 $8.000000000e+00, v3;
	v2 =	vld [tilespmem:s6+$0xFFFFFFF0]  }
0x7e: {  	s6 =	sadd.s32 $0x100, s6;
	v3 =	vld [tilespmem:s13+$0xFFFFE350];
	[tilespmem:s13+$0xFFFFE3D0] =	vst v6;
	v6 =	vmul.f32 $8.000000000e+00, v7  }
0x7f: {  	[tilespmem:s13+$0xFFFFE3E0] =	vst v5;
	v0 =	vmul.f32 $8.000000000e+00, v0  }
0x80: {  	[tilespmem:s13+$0xFFFFE3F0] =	vst v6;
	v1 =	vmul.f32 $8.000000000e+00, v1  }
0x81: {  	s6 =	sadd.s32 s11, s3;
	[tilespmem:s13+$0xFFFFE400] =	vst v0;
	v0 =	vmul.f32 $8.000000000e+00, v4  }
0x82: {  	s6 =	smul.u32 $0x380, s6;
	[tilespmem:s13+$0xFFFFFFD0] =	vst v1;
	v1 =	vmul.f32 $8.000000000e+00, v2  }
0x83: {  	v2 =	vmul.f32 $8.000000000e+00, v3;
	[tilespmem:s13+$0xFFFFFFE0] =	vst v0  }
0x84: {  	s6 =	sadd.s32 s5, s6;
	[tilespmem:s13+$0xFFFFFFF0] =	vst v1  }
0x85: {  	s15 =	sadd.s32 $0x700, s6;
	[tilespmem:s13+$0xFFFFE350] =	vst v2  }
0x86: {  	[hbm4b:s15+s2] =	stream.linear.scatter [tilespmem:s14], [sflag:$0x6], $0x1900, $0x38;
	[tilespmem:$0x12000] =	vst v63  }
0x87: {  	p0 =	seq.s32 s31, $0xF;
	s6 =	sadd.s32 $0xA80, s6  }
0x88: {  	[hbm4b:s6+s2] =	stream.linear.scatter [tilespmem:s16], [sflag:$0x6], $0x1900, $0x38;
	[tilespmem:$0x12000] =	vst v63  }
0x89: {  	s6 =	simm.s32 @!p0 $0x5  }
0x8a: {  	s11 =	sshll.u32 @!p0 s31, $0xA;
	_ =	swait.ge @!p0 [sflag:s6], $0x3200  }
0x8b: {  	s11 =	sand.u32 @!p0 $0x3FFFFC00, s11;
	s13 =	simm.s32 @!p0 $0x32;
	[sflag:s6] =	ssyncset.done @!p0 $0x0  }
0x8c: {  	s15 =	simm.s32 @!p0 $0x4000;
	[sflag:s6] =	ssyncadd.s32 @!p0 $0xFFFFCE00;
	s6 =	sadd.s32 @!p0 $0x400, s11  }
0x8d: {  	[tilespmem:s15], [sflag:$0x1] =	stream.indirect.gather @!p0 [hbm4b:s4+s13], $0x80, s6, s13, $0xb8;
	[tilespmem:$0x12000] =	vst v63  }
0x8e: {  	s6 =	sadd.s32 @!p0 $0x480, s11;
	s15 =	simm.s32 @!p0 $0x5C00  }
0x8f: {  	[tilespmem:s15], [sflag:$0x1] =	stream.indirect.gather @!p0 [hbm4b:s4+s13], $0x80, s6, s13, $0xb8;
	[tilespmem:$0x12000] =	vst v63  }
0x90: {  	_ =	swait.ge [sflag:s23], $0x1900  }
0x91: {  	[sflag:s23] =	ssyncset.done $0x0  }
0x92: {  	[sflag:s23] =	ssyncadd.s32 $0xFFFFE700  }
0x93: {  	_ =	swait.ge [sflag:s23], $0x1900  }
0x94: {  	[sflag:s23] =	ssyncset.done $0x0  }
0x95: {  	s13 =	simm.s32 $0xCCB0;
	[sflag:s23] =	ssyncadd.s32 $0xFFFFE700  }
0x96: {  	v0 =	vld [tilespmem:s13+$0x0]  }
0x97: {  	v1 =	vld [tilespmem:s13+$0xFFFFE360]  }
0x98: {  	v2 =	vld [tilespmem:s13+$0xFFFFE370]  }
0x99: {  	v3 =	vld [tilespmem:s13+$0xFFFFE380]  }
0x9a: {  	v4 =	vld [tilespmem:s13+$0xFFFFFF50]  }
0x9b: {  	v5 =	vld [tilespmem:s13+$0xFFFFFF60];
	v0 =	vmul.f32 $8.000000000e+00, v0  }
0x9c: {  	v6 =	vld [tilespmem:s13+$0xFFFFFF70];
	v1 =	vmul.f32 $8.000000000e+00, v1  }
0x9d: {  	v7 =	vld [tilespmem:s13+$0xFFFFFF80];
	v2 =	vmul.f32 $8.000000000e+00, v2;
	[tilespmem:s13+$0x0] =	vst v0  }
0x9e: {  	[tilespmem:s13+$0xFFFFE360] =	vst v1;
	v0 =	vmul.f32 $8.000000000e+00, v3;
	v3 =	vld [tilespmem:s13+$0xFFFFE3D0]  }
0x9f: {  	v8 =	vld [tilespmem:s13+$0xFFFFE3E0];
	[tilespmem:s13+$0xFFFFE370] =	vst v2;
	v1 =	vmul.f32 $8.000000000e+00, v4  }
0xa0: {  	v9 =	vld [tilespmem:s13+$0xFFFFE3F0];
	v2 =	vmul.f32 $8.000000000e+00, v5;
	[tilespmem:s13+$0xFFFFE380] =	vst v0  }
0xa1: {  	v4 =	vmul.f32 $8.000000000e+00, v6;
	[tilespmem:s13+$0xFFFFFF50] =	vst v1;
	v0 =	vld [tilespmem:s13+$0xFFFFE400]  }
0xa2: {  	[tilespmem:s13+$0xFFFFFF60] =	vst v2;
	v2 =	vmul.f32 $8.000000000e+00, v7;
	v1 =	vld [tilespmem:s13+$0xFFFFFFD0]  }
0xa3: {  	[tilespmem:s13+$0xFFFFFF70] =	vst v4;
	v4 =	vld [tilespmem:s13+$0xFFFFFFE0];
	v6 =	vmul.f32 $8.000000000e+00, v3  }
0xa4: {  	v5 =	vmul.f32 $8.000000000e+00, v8;
	[tilespmem:s13+$0xFFFFFF80] =	vst v2;
	v2 =	vld [tilespmem:s13+$0xFFFFFFF0]  }
0xa5: {  	s15 =	simm.s32 $0x0;
	s6 =	simm.s32 $0xCDB0;
	v3 =	vld [tilespmem:s13+$0xFFFFE350];
	[tilespmem:s13+$0xFFFFE3D0] =	vst v6;
	v6 =	vmul.f32 $8.000000000e+00, v9  }
.LBB2_7:
0xa6: {  	v7 =	vld [tilespmem:s6+$0x0];
	s15 =	sadd.s32 $0x2, s15;
	[tilespmem:s13+$0xFFFFE3E0] =	vst v5;
	v0 =	vmul.f32 $8.000000000e+00, v0  }
0xa7: {  	v5 =	vld [tilespmem:s6+$0xFFFFE360];
	p1 =	slt.u32 s15, $0x30;
	[tilespmem:s13+$0xFFFFE3F0] =	vst v6;
	v1 =	vmul.f32 $8.000000000e+00, v1  }
0xa8: {  	v6 =	vld [tilespmem:s6+$0xFFFFE370];
	[tilespmem:s13+$0xFFFFE400] =	vst v0;
	v0 =	vmul.f32 $8.000000000e+00, v4  }
0xa9: {  	v4 =	vld [tilespmem:s6+$0xFFFFE380];
	[tilespmem:s13+$0xFFFFFFD0] =	vst v1;
	v1 =	vmul.f32 $8.000000000e+00, v2  }
0xaa: {  	v2 =	vld [tilespmem:s6+$0xFFFFFF50];
	v3 =	vmul.f32 $8.000000000e+00, v3;
	[tilespmem:s13+$0xFFFFFFE0] =	vst v0  }
0xab: {  	v0 =	vld [tilespmem:s6+$0xFFFFFF60];
	v7 =	vmul.f32 $8.000000000e+00, v7;
	[tilespmem:s13+$0xFFFFFFF0] =	vst v1  }
0xac: {  	v1 =	vmul.f32 $8.000000000e+00, v5;
	v5 =	vld [tilespmem:s6+$0xFFFFFF70];
	[tilespmem:s13+$0xFFFFE350] =	vst v3;
	s13 =	smov.u32 s6  }
0xad: {  	v3 =	vmul.f32 $8.000000000e+00, v6;
	v6 =	vld [tilespmem:s6+$0xFFFFFF80];
	[tilespmem:s6+$0x0] =	vst v7  }
0xae: {  	[tilespmem:s6+$0xFFFFE360] =	vst v1;
	v1 =	vmul.f32 $8.000000000e+00, v4;
	v4 =	vld [tilespmem:s6+$0xFFFFE3D0]  }
0xaf: {  	[tilespmem:s6+$0xFFFFE370] =	vst v3;
	v2 =	vmul.f32 $8.000000000e+00, v2;
	v3 =	vld [tilespmem:s6+$0xFFFFE3E0]  }
0xb0: {  	[tilespmem:s6+$0xFFFFE380] =	vst v1;
	v1 =	vmul.f32 $8.000000000e+00, v0;
	v7 =	vld [tilespmem:s6+$0xFFFFE3F0]  }
.Ltmp2:
0xb1: {  	[tilespmem:s6+$0xFFFFFF50] =	vst v2;
	v2 =	vmul.f32 $8.000000000e+00, v5;
	v0 =	vld [tilespmem:s6+$0xFFFFE400];
	(pc) =	sbr.rel @p1 .LBB2_7-.Ltmp2, $4  }
0xb2: {  	[tilespmem:s6+$0xFFFFFF60] =	vst v1;
	v5 =	vmul.f32 $8.000000000e+00, v6;
	v1 =	vld [tilespmem:s6+$0xFFFFFFD0]  }
0xb3: {  	[tilespmem:s6+$0xFFFFFF70] =	vst v2;
	v6 =	vmul.f32 $8.000000000e+00, v4;
	v4 =	vld [tilespmem:s6+$0xFFFFFFE0]  }
0xb4: {  	[tilespmem:s6+$0xFFFFFF80] =	vst v5;
	v5 =	vmul.f32 $8.000000000e+00, v3;
	v2 =	vld [tilespmem:s6+$0xFFFFFFF0]  }
0xb5: {  	s6 =	sadd.s32 $0x100, s6;
	v3 =	vld [tilespmem:s13+$0xFFFFE350];
	[tilespmem:s13+$0xFFFFE3D0] =	vst v6;
	v6 =	vmul.f32 $8.000000000e+00, v7  }
0xb6: {  	[tilespmem:s13+$0xFFFFE3E0] =	vst v5;
	v0 =	vmul.f32 $8.000000000e+00, v0  }
0xb7: {  	[tilespmem:s13+$0xFFFFE3F0] =	vst v6;
	v1 =	vmul.f32 $8.000000000e+00, v1  }
0xb8: {  	s1 =	sshll.u32 s1, $0x1;
	[tilespmem:s13+$0xFFFFE400] =	vst v0;
	v0 =	vmul.f32 $8.000000000e+00, v4  }
0xb9: {  	s1 =	sadd.s32 s3, s1;
	[tilespmem:s13+$0xFFFFFFD0] =	vst v1;
	v1 =	vmul.f32 $8.000000000e+00, v2  }
0xba: {  	s1 =	smul.u32 $0x380, s1;
	v2 =	vmul.f32 $8.000000000e+00, v3;
	[tilespmem:s13+$0xFFFFFFE0] =	vst v0  }
0xbb: {  	[tilespmem:s13+$0xFFFFFFF0] =	vst v1  }
0xbc: {  	s1 =	sadd.s32 s5, s1;
	[tilespmem:s13+$0xFFFFE350] =	vst v2  }
0xbd: {  	[hbm4b:s1+s2] =	stream.linear.scatter [tilespmem:s17], [sflag:$0x7], $0x1900, $0x38;
	[tilespmem:$0x12000] =	vst v63  }
0xbe: {  	s1 =	sadd.s32 $0x380, s1  }
0xbf: {  	[hbm4b:s1+s2] =	stream.linear.scatter [tilespmem:s18], [sflag:$0x7], $0x1900, $0x38;
	[tilespmem:$0x12000] =	vst v63  }
0xc0: {  	s1 =	simm.s32 @!p0 $0x6  }
0xc1: {  	_ =	swait.ge @!p0 [sflag:s1], $0x3200  }
0xc2: {  	s6 =	simm.s32 @!p0 $0x32;
	[sflag:s1] =	ssyncset.done @!p0 $0x0  }
0xc3: {  	s13 =	simm.s32 @!p0 $0x7800;
	[sflag:s1] =	ssyncadd.s32 @!p0 $0xFFFFCE00;
	s1 =	sadd.s32 @!p0 $0x500, s11  }
0xc4: {  	[tilespmem:s13], [sflag:$0x2] =	stream.indirect.gather @!p0 [hbm4b:s4+s6], $0x80, s1, s6, $0xb8;
	[tilespmem:$0x12000] =	vst v63  }
0xc5: {  	s1 =	sadd.s32 @!p0 $0x580, s11;
	s11 =	simm.s32 @!p0 $0x9400  }
0xc6: {  	[tilespmem:s11], [sflag:$0x2] =	stream.indirect.gather @!p0 [hbm4b:s4+s6], $0x80, s1, s6, $0xb8;
	[tilespmem:$0x12000] =	vst v63  }
0xc7: {  	_ =	swait.ge [sflag:s24], $0x1900  }
0xc8: {  	[sflag:s24] =	ssyncset.done $0x0  }
0xc9: {  	[sflag:s24] =	ssyncadd.s32 $0xFFFFE700  }
0xca: {  	_ =	swait.ge [sflag:s24], $0x1900  }
0xcb: {  	[sflag:s24] =	ssyncset.done $0x0  }
0xcc: {  	s1 =	simm.s32 $0x104B0;
	[sflag:s24] =	ssyncadd.s32 $0xFFFFE700  }
0xcd: {  	v0 =	vld [tilespmem:s1+$0x0]  }
0xce: {  	v1 =	vld [tilespmem:s1+$0xFFFFE360]  }
0xcf: {  	v2 =	vld [tilespmem:s1+$0xFFFFE370]  }
0xd0: {  	v3 =	vld [tilespmem:s1+$0xFFFFE380]  }
0xd1: {  	v4 =	vld [tilespmem:s1+$0xFFFFFF50]  }
0xd2: {  	v5 =	vld [tilespmem:s1+$0xFFFFFF60];
	v0 =	vmul.f32 $8.000000000e+00, v0  }
0xd3: {  	v6 =	vld [tilespmem:s1+$0xFFFFFF70];
	v1 =	vmul.f32 $8.000000000e+00, v1  }
0xd4: {  	v7 =	vld [tilespmem:s1+$0xFFFFFF80];
	v2 =	vmul.f32 $8.000000000e+00, v2;
	[tilespmem:s1+$0x0] =	vst v0  }
0xd5: {  	[tilespmem:s1+$0xFFFFE360] =	vst v1;
	v0 =	vmul.f32 $8.000000000e+00, v3;
	v3 =	vld [tilespmem:s1+$0xFFFFE3D0]  }
0xd6: {  	v8 =	vld [tilespmem:s1+$0xFFFFE3E0];
	[tilespmem:s1+$0xFFFFE370] =	vst v2;
	v1 =	vmul.f32 $8.000000000e+00, v4  }
0xd7: {  	v9 =	vld [tilespmem:s1+$0xFFFFE3F0];
	v2 =	vmul.f32 $8.000000000e+00, v5;
	[tilespmem:s1+$0xFFFFE380] =	vst v0  }
0xd8: {  	v4 =	vmul.f32 $8.000000000e+00, v6;
	[tilespmem:s1+$0xFFFFFF50] =	vst v1;
	v0 =	vld [tilespmem:s1+$0xFFFFE400]  }
0xd9: {  	[tilespmem:s1+$0xFFFFFF60] =	vst v2;
	v2 =	vmul.f32 $8.000000000e+00, v7;
	v1 =	vld [tilespmem:s1+$0xFFFFFFD0]  }
0xda: {  	[tilespmem:s1+$0xFFFFFF70] =	vst v4;
	v4 =	vld [tilespmem:s1+$0xFFFFFFE0];
	v6 =	vmul.f32 $8.000000000e+00, v3  }
0xdb: {  	v5 =	vmul.f32 $8.000000000e+00, v8;
	[tilespmem:s1+$0xFFFFFF80] =	vst v2;
	v2 =	vld [tilespmem:s1+$0xFFFFFFF0]  }
0xdc: {  	s11 =	simm.s32 $0x0;
	s6 =	simm.s32 $0x105B0;
	v3 =	vld [tilespmem:s1+$0xFFFFE350];
	[tilespmem:s1+$0xFFFFE3D0] =	vst v6;
	v6 =	vmul.f32 $8.000000000e+00, v9  }
.LBB2_9:
0xdd: {  	v7 =	vld [tilespmem:s6+$0x0];
	s11 =	sadd.s32 $0x2, s11;
	[tilespmem:s1+$0xFFFFE3E0] =	vst v5;
	v0 =	vmul.f32 $8.000000000e+00, v0  }
0xde: {  	v5 =	vld [tilespmem:s6+$0xFFFFE360];
	p0 =	slt.u32 s11, $0x30;
	[tilespmem:s1+$0xFFFFE3F0] =	vst v6;
	v1 =	vmul.f32 $8.000000000e+00, v1  }
0xdf: {  	v6 =	vld [tilespmem:s6+$0xFFFFE370];
	[tilespmem:s1+$0xFFFFE400] =	vst v0;
	v0 =	vmul.f32 $8.000000000e+00, v4  }
0xe0: {  	v4 =	vld [tilespmem:s6+$0xFFFFE380];
	[tilespmem:s1+$0xFFFFFFD0] =	vst v1;
	v1 =	vmul.f32 $8.000000000e+00, v2  }
0xe1: {  	v2 =	vld [tilespmem:s6+$0xFFFFFF50];
	v3 =	vmul.f32 $8.000000000e+00, v3;
	[tilespmem:s1+$0xFFFFFFE0] =	vst v0  }
0xe2: {  	v0 =	vld [tilespmem:s6+$0xFFFFFF60];
	v7 =	vmul.f32 $8.000000000e+00, v7;
	[tilespmem:s1+$0xFFFFFFF0] =	vst v1  }
0xe3: {  	v1 =	vmul.f32 $8.000000000e+00, v5;
	v5 =	vld [tilespmem:s6+$0xFFFFFF70];
	[tilespmem:s1+$0xFFFFE350] =	vst v3;
	s1 =	smov.u32 s6  }
0xe4: {  	v3 =	vmul.f32 $8.000000000e+00, v6;
	v6 =	vld [tilespmem:s6+$0xFFFFFF80];
	[tilespmem:s6+$0x0] =	vst v7  }
0xe5: {  	[tilespmem:s6+$0xFFFFE360] =	vst v1;
	v1 =	vmul.f32 $8.000000000e+00, v4;
	v4 =	vld [tilespmem:s6+$0xFFFFE3D0]  }
0xe6: {  	[tilespmem:s6+$0xFFFFE370] =	vst v3;
	v2 =	vmul.f32 $8.000000000e+00, v2;
	v3 =	vld [tilespmem:s6+$0xFFFFE3E0]  }
0xe7: {  	[tilespmem:s6+$0xFFFFE380] =	vst v1;
	v1 =	vmul.f32 $8.000000000e+00, v0;
	v7 =	vld [tilespmem:s6+$0xFFFFE3F0]  }
.Ltmp3:
0xe8: {  	[tilespmem:s6+$0xFFFFFF50] =	vst v2;
	v2 =	vmul.f32 $8.000000000e+00, v5;
	v0 =	vld [tilespmem:s6+$0xFFFFE400];
	(pc) =	sbr.rel @p0 .LBB2_9-.Ltmp3, $4  }
0xe9: {  	[tilespmem:s6+$0xFFFFFF60] =	vst v1;
	v5 =	vmul.f32 $8.000000000e+00, v6;
	v1 =	vld [tilespmem:s6+$0xFFFFFFD0]  }
0xea: {  	[tilespmem:s6+$0xFFFFFF70] =	vst v2;
	v6 =	vmul.f32 $8.000000000e+00, v4;
	v4 =	vld [tilespmem:s6+$0xFFFFFFE0]  }
0xeb: {  	[tilespmem:s6+$0xFFFFFF80] =	vst v5;
	v5 =	vmul.f32 $8.000000000e+00, v3;
	v2 =	vld [tilespmem:s6+$0xFFFFFFF0]  }
0xec: {  	s6 =	sadd.s32 $0x100, s6;
	v3 =	vld [tilespmem:s1+$0xFFFFE350];
	[tilespmem:s1+$0xFFFFE3D0] =	vst v6;
	v6 =	vmul.f32 $8.000000000e+00, v7  }
0xed: {  	[tilespmem:s1+$0xFFFFE3E0] =	vst v5;
	v0 =	vmul.f32 $8.000000000e+00, v0  }
0xee: {  	[tilespmem:s1+$0xFFFFE3F0] =	vst v6;
	v1 =	vmul.f32 $8.000000000e+00, v1  }
0xef: {  	s0 =	sshll.u32 s0, $0x1;
	[tilespmem:s1+$0xFFFFE400] =	vst v0;
	v61 =	vmul.f32 $8.000000000e+00, v4  }
0xf0: {  	s31 =	sadd.s32 $0x1, s31;
	s0 =	sadd.s32 s3, s0;
	[tilespmem:s1+$0xFFFFFFD0] =	vst v1;
	v62 =	vmul.f32 $8.000000000e+00, v2  }
0xf1: {  	p0 =	sne.s32 s31, $0x10;
	s0 =	smul.u32 $0x380, s0;
	v63 =	vmul.f32 $8.000000000e+00, v3;
	[tilespmem:s1+$0xFFFFFFE0] =	vst v61  }
.Ltmp4:
0xf2: {  	[tilespmem:s1+$0xFFFFFFF0] =	vst v62;
	(pc) =	sbr.rel @p0 .LBB2_2-.Ltmp4, $4  }
0xf3: {  	s0 =	sadd.s32 s5, s0;
	[tilespmem:s1+$0xFFFFE350] =	vst v63  }
0xf4: {  	[hbm4b:s0+s2] =	stream.linear.scatter [tilespmem:s20], [sflag:$0x8], $0x1900, $0x38;
	[tilespmem:$0x12000] =	vst v63  }
0xf5: {  	s0 =	sadd.s32 $0x380, s0  }
0xf6: {  	[hbm4b:s0+s2] =	stream.linear.scatter [tilespmem:s21], [sflag:$0x8], $0x1900, $0x38;
	[tilespmem:$0x12000] =	vst v63  }
0xf7: {  	_ =	swait.ge [sflag:s25], $0x3200  }
0xf8: {  	[sflag:s25] =	ssyncset.done $0x0  }
0xf9: {  	[sflag:s25] =	ssyncadd.s32 $0xFFFFCE00  }
0xfa: {  	_ =	swait.ge [sflag:s26], $0x3200  }
0xfb: {  	[sflag:s26] =	ssyncset.done $0x0  }
0xfc: {  	s30 =	sadd.s32 $0x1, s30;
	[sflag:s26] =	ssyncadd.s32 $0xFFFFCE00  }
0xfd: {  	p0 =	sne.s32 s30, s7;
	_ =	swait.ge [sflag:s28], $0x3200  }
.Ltmp5:
0xfe: {  	[sflag:s28] =	ssyncset.done $0x0;
	(pc) =	sbr.rel @p0 .LBB2_1-.Ltmp5, $4  }
0xff: {  	[sflag:s28] =	ssyncadd.s32 $0xFFFFCE00  }
0x100: {  	_ =	swait.ge [sflag:s29], $0x3200  }
0x101: {  	[sflag:s29] =	ssyncset.done $0x0  }
0x102: {  	[sflag:s29] =	ssyncadd.s32 $0xFFFFCE00  }
0x103: {  	_ =	sfence.sel $0x180000  }
0x104: {  	[bflag:$0x0] =	sbarrier.arrive $0xFFFF  }
0x105: {  	_ =	strace $0x90000047  }
0x106: {  	s0 =	stileid.u32;
	[bflag:$0x2] =	sbarrier.arrive $0xFFFF  }
0x107: {  	p0 =	sne.s32 s0, $0x0;
	s0 =	rddreg [dreg:$0x1]  }
0x108: {  	s0 =	sadd.s32 @!p0 $0x100000, s0  }
0x109: {  	[sflag:s0] =	ssyncadd.tile.s32 @!p0 $0x1;
	_ =	shalt  }
.Lfunc_end2:
_tile_overlayer_lowered:
.L_overlay_start_2:
0x10a: {  	(tag) =	ssettag $0x2  }
0x10b: {  	s0 =	rddreg [dreg:$0x0];
	s2 =	stileid.u32  }
0x10c: {  	s1 =	rddreg [dreg:$0x1];
	p0 =	sne.s32 s2, $0x0  }
0x10d: {  	s3 =	rddreg [dreg:$0x2];
	[bflag:$0x3] =	sbarrier.arrive $0xFFFF;
	s2 =	simm.s32 @!p0 $0x1C09  }
0x10e: {  	[timem:s3], [sflag:s2] =	dma.local @!p0 [hbm:s0], s1  }
0x10f: {  	s0 =	simm.s32 @!p0 $0x9  }
0x110: {  	_ =	swait.ge @!p0 [sflag:s0], s1  }
0x111: {  	s1 =	ssub.s32 @!p0 $0x0, s1;
	[sflag:s0] =	ssyncset.done @!p0 $0x0  }
0x112: {  	[sflag:s0] =	ssyncadd.s32 @!p0 s1  }
0x113: {  	[bflag:$0x3] =	sbarrier.arrive $0xFFFF  }
0x114: {  	_ =	shalt  }

// kernel: sparse-core-data-format-call.cloned.1.call-start
scs
called_computation_lowered:
.L_overlay_start_0:
0x0: {  	s2 =	sld [smem:$0x3FD9]  }
0x1: {  	s3 =	sld [smem:$0x3FFE];
	_ =	sdelay $0x1  }
0x2: {  	s1 =	srdreg.scid  }
0x3: {  	s0 =	sand.u32 $0x1, s1  }
0x4: {  	s18 =	sshll.u32 s0, $0xA;
	s2 =	sadd.s32 s3, s2  }
0x5: {  	s2 =	sadd.s32 s2, s18  }
0x6: {  	[smem:$0x3FC6] =	sst s2  }
0x7: {  	_ = 	snop  }
0x8: {  	s2 =	sld [smem:$0x3FD0];
	(tm) =	ssettm $0x1  }
0x9: {  	s19 =	sld [smem:$0x3FFB];
	_ =	sdelay $0x3  }
0xa: {  	_ =	strace s19  }
0xb: {  	s3 =	sld [smem:$0x3FFC];
	_ =	sdelay $0x3  }
0xc: {  	_ =	strace s3  }
0xd: {  	s3 =	sld [smem:$0x3FFD];
	_ =	sdelay $0x3  }
0xe: {  	_ =	strace s3  }
0xf: {  	_ =	strace $0x8FFFFFFF  }
0x10: {  	s20 =	sld [smem:$0x3FDB];
	_ =	sdelay $0x1  }
0x11: {  	s4 =	simm.s32 $_scs_section_size  }
0x12: {  	s5 =	simm.s32 $_size__tile_overlayer_lowered;
	s6 =	simm.s32 $_tile_overlayer_lowered  }
0x13: {  	s23 =	simm.s32 $0x1BFF;
	s22 =	sshll.u32 s6, $0x1;
	s3 =	sadd.s32 s4, s20  }
0x14: {  	s7 =	simm.s32 $0x0;
	s21 =	sshll.u32 s5, $0x1;
	s5 =	sadd.s32 s22, s3  }
0x15: {  	[timem:s7], [sflag:s23] =	dma.local [hbm:s5], s21  }
0x16: {  	_ =	swait.ge [sflag:s23], s21  }
0x17: {  	s4 =	ssub.s32 $0x0, s21;
	[sflag:s23] =	ssyncset.done $0x0  }
0x18: {  	[sflag:s23] =	ssyncadd.s32 s4;
	_ =	sdelay $0x1  }
0x19: {  	s24 =	simm.s32 $0x1B8B  }
0x1a: {  	_ =	swait.ge [sflag:s24], $0x1  }
0x1b: {  	[sflag:s24] =	ssyncset.done $0x0  }
0x1c: {  	s26 =	simm.s32 $0x1B8E;
	s25 =	sld [smem:$0x3FFE];
	[sflag:s24] =	ssyncadd.s32 $0xFFFFFFFF  }
0x1d: {  	s27 =	simm.s32 $execute0_lowered;
	[smem:$0x3FD2] =	sst s26  }
0x1e: {  	s5 =	sshll.u32 s27, $0x1;
	_ =	strace $0x80000049;
	[dreg:$0x1] =	wrdreg $0xFFFFFFFF  }
0x1f: {  	s28 =	simm.s32 $_size_execute0_lowered;
	s3 =	sadd.s32 s3, s5;
	[dreg:$0x0] =	wrdreg $0x0  }
0x20: {  	s5 =	sshll.u32 s28, $0x1;
	[dreg:$0x2] =	wrdreg s3  }
0x21: {  	[dreg:$0x3] =	wrdreg s5  }
0x22: {  	[dreg:$0x4] =	wrdreg $0xC0  }
0x23: {  	_ =	task [dreg:s7], $0x5FFFF  }
0x24: {  	[dreg:$0x1] =	wrdreg $0xFFFFFFFF  }
0x25: {  	[dreg:$0x0] =	wrdreg $0x60  }
0x26: {  	[dreg:$0x2] =	wrdreg s25  }
0x27: {  	[dreg:$0x3] =	wrdreg s2  }
0x28: {  	[dreg:$0x4] =	wrdreg $0x9  }
0x29: {  	_ =	task.clear_ibuf [dreg:s7], $0x5FFFF;
	_ =	strace $0x90000049  }
0x2a: {  	s29 =	simm.s32 $0x9;
	_ =	strace $0x8000004B  }
0x2b: {  	_ =	swait.ge [sflag:s29], $0x1  }
0x2c: {  	[sflag:s29] =	ssyncadd.s32 $0xFFFFFFFF  }
0x2d: {  	_ =	strace $0x9000004B  }
0x2e: {  	_ =	sfence  }
0x2f: {  	s30 =	sld [smem:$0x0];
	_ =	sdelay $0x2  }
0x30: {  	s31 =	sshll.u32 s1, $0xD;
	s1 =	sshrl.u32 s1, $0x2  }
0x31: {  	s3 =	sand.u32 $0x4000, s31;
	s1 =	sadd.s32 s1, s30  }
0x32: {  	s0 =	sor.u32 s3, s0;
	s1 =	sshll.u32 s1, $0x11  }
0x33: {  	s0 =	sor.u32 s1, s0  }
0x34: {  	s0 =	sadd.s32 $0x8F2B, s0  }
0x35: {  	[sflag:s0] =	ssyncadd.remote.s32 $0x1  }
0x36: {  	_ =	sfence.sel $0xFFFF  }
0x37: {  	[dreg:$0x0] =	wrdreg $0xFFFFFFFF;
	(pc) =	sbr.abs _section_cstart, $3  }
0x38: {  	[dreg:$0x1] =	wrdreg $0xFFFFFFFF  }
0x39: {  	_ =	task.clear_ibuf [dreg:s7], $0x2FFFF;
	_ =	strace $0x9FFFFFFF  }
0x3a: {  	(tm) =	ssettm $0x7FFFFFFF  }
0x3b: {  	_ =	shalt  }
tec
execute0_lowered:
.L_overlay_start_1:
0x0: {  	(tag) =	ssettag $0x1  }
0x1: {  	s0 =	srdreg.scid  }
0x2: {  	s1 =	sshll.u32 s0, $0x4  }
0x3: {  	s0 =	stileid.u32;
	s1 =	sand.u32 $0x10, s1  }
0x4: {  	s1 =	sor.u32 s0, s1  }
0x5: {  	s6 =	rddreg [dreg:$0x0];
	s4 =	simm.s32 $0x1;
	s2 =	sshll.u32 s1, $0x7  }
0x6: {  	s7 =	simm.s32 $0x2;
	s12 =	simm.s32 $0x0;
	s1 =	ssub.s32 $0x1000, s2  }
0x7: {  	s8 =	simm.s32 $0x8000;
	s13 =	simm.s32 $0x0;
	s3 =	sand.u32 $0xF80, s1  }
0x8: {  	s9 =	simm.s32 $0x0;
	s5 =	sshrl.u32 s1, $0xC;
	p0 =	sne.s32 s3, $0x0  }
.Ltmp0:
0x9: {  	s1 =	rddreg [dreg:$0x2];
	s4 =	simm.s32 @!p0 $0x0;
	(pc) =	sbr.rel .LBB1_1-.Ltmp0, $4  }
0xa: {  	s11 =	simm.s32 $0x0;
	s3 =	rddreg [dreg:$0x1];
	s5 =	sadd.s32 s4, s5  }
0xb: {  	_ =	strace $0x8000004A;
	s4 =	simm.s32 $0x1;
	s5 =	smul.u32 $0x32, s5  }
0xc: {  	s6 =	sadd.s32 $0x197200, s6;
	s10 =	smov.u32 s2;
	[sflag:s4] =	ssyncpa.u1 $0x0  }
0xd: {  	p0 =	por $0x0, $0x0;
	[sflag:s7] =	ssyncpa.u1 $0x0;
	s7 =	sor.u32 $0x1, s5  }
.LBB1_4:
0xe: {  	s16 =	sshll.u32 s13, $0x3;
	s17 =	sand.u32 $0x78, s13  }
0xf: {  	s30 =	sand.u32 $0x7E00, s13;
	s12 =	sshll.u32 s12, $0xF;
	s16 =	sand.u32 $0xC00, s16  }
0x10: {  	[tilespmem:s15+$0x810 ss:$0x81] =	vst.msk $0xffff, v2;
	s31 =	sand.u32 $0x7, s13;
	s16 =	sor.u32 s17, s16;
	s17 =	sadd.s32 s3, s30  }
0x11: {  	[tilespmem:s15+$0x1020 ss:$0x81] =	vst.msk $0xffff, v0;
	s13 =	sshll.u32 s31, $0x12;
	s12 =	sadd.s32 s12, s17;
	s16 =	sshrl.u32 s16, $0x3  }
0x12: {  	[tilespmem:s15+$0x0 ss:$0x81] =	vst.msk $0xffff, v1;
	s13 =	sor.u32 $0x400, s13;
	s12 =	sadd.s32 s16, s12  }
0x13: {  	[hbm4b:s12+s13] =	stream.strided.scatter [tilespmem:s14], [sflag:$0x2], $0x2000, s8, s13, $0x20;
	[tilespmem:$0x8080] =	vst v63  }
.LBB1_5:
0x14: {  	s14 =	sadd.s32 $0x1, s9  }
0x15: {  	s12 =	sadd.s32 $0x1000, s10;
	s16 =	smov.u32 s10;
	p2 =	sgt.s32 s14, $0x31  }
0x16: {  	s16 =	smov.u32 @p2 s12  }
0x17: {  	s14 =	simm.s32 @p2 $0x0;
	p2 =	sgt.s32 s16, $0xFFF  }
0x18: {  	s16 =	smov.u32 @p2 s2;
	p2 =	sne.s32 s11, s7  }
.Ltmp1:
0x19: {  	p1 =	slt.u32 s11, $0x2;
	(pc) =	sbr.rel @!p2 .LBB1_6-.Ltmp1, $4  }
0x1a: {  	s15 =	simm.s32 @!p1 $0x2  }
0x1b: {  	s13 =	smov.u32 s10;
	p0 =	por !p0, !p0;
	_ =	swait.ge @!p1 [sflag:s15], $0x2000  }
0x1c: {  	s12 =	smov.u32 s9;
	[sflag:s15] =	ssyncset.done @!p1 $0x0;
	s9 =	smov.u32 s14  }
0x1d: {  	s11 =	sadd.s32 $0x1, s11;
	[sflag:s15] =	ssyncadd.s32 @!p1 $0xFFFFE000;
	s10 =	smov.u32 s16  }
.LBB1_1:
0x1e: {  	p1 =	sge.u32 s11, s5  }
0x1f: {  	s14 =	sand.u32 @!p1 $0x1FFFFFF, s9  }
0x20: {  	s15 =	smulhi.u32 @!p1 $0x4924925, s14;
	_ =	sdelay $0x1  }
0x21: {  	s15 =	smul.u32 @!p1 $0x38, s15  }
0x22: {  	s16 =	sxor.u32 @!p1 $0xFFFFFFFF, s11;
	s17 =	smul.u32 @!p1 $0x380, s10  }
0x23: {  	s31 =	sadd.s32 $0xFFFFFFFF, s11;
	s16 =	sshll.u32 @!p1 s16, $0xD;
	s14 =	ssub.s32 @!p1 s14, s15  }
0x24: {  	s15 =	sand.u32 @!p1 $0x2000, s16;
	s16 =	sadd.s32 @!p1 s6, s17;
	s14 =	sshll.u32 @!p1 s14, $0x4  }
0x25: {  	s17 =	simm.s32 @!p1 $0x1C00;
	s14 =	sadd.s32 @!p1 s14, s16;
	s16 =	simm.s32 @!p1 $0x40  }
0x26: {  	[tilespmem:s15], [sflag:$0x1] =	stream.strided.gather @!p1 [hbm4b:s14+s16], $0x2000, s17, s16, $0x38;
	[tilespmem:$0x8080] =	vst v63  }
0x27: {  	p1 =	sge.u32 s31, s5  }
.Ltmp2:
0x28: {  	_ = 	snop;
	(pc) =	sbr.rel @p1 .LBB1_5-.Ltmp2, $1  }
0x29: {  	_ =	sdelay $0x3  }
0x2a: {  	s14 =	simm.s32 $0x1  }
0x2b: {  	_ =	swait.ge [sflag:s4], $0x2000;
	s14 =	simm.s32 @!p0 $0x0  }
0x2c: {  	[sflag:s4] =	ssyncset.done $0x0;
	s15 =	sshll.u32 s14, $0xD  }
0x2d: {  	[sflag:s4] =	ssyncadd.s32 $0xFFFFE000;
	s18 =	sor.u32 $0x20, s15  }
0x2e: {  	s14 =	smul.u32 $0x8100, s14;
	v3 =	vld [tilespmem:s18+$0x10]  }
0x2f: {  	s30 =	sand.u32 $0x1, s11;
	v2 =	vld [tilespmem:s18+$0xFFFFFFF0]  }
0x30: {  	s15 =	smul.u32 $0x8100, s30;
	s14 =	sshrl.u32 s14, $0x2;
	v0 =	vld [tilespmem:s18+$0x0]  }
0x31: {  	v1 =	vld [tilespmem:s18+$0xFFFFFFE0];
	s16 =	sor.u32 $0x4000, s14  }
0x32: {  	s31 =	sshrl.u32 s15, $0x2;
	s15 =	sadd.s32 $0x0, s16  }
0x33: {  	s17 =	simm.s32 $0x4;
	s18 =	sadd.s32 $0x40, s18;
	s14 =	sor.u32 $0x4000, s31;
	[tilespmem:s15+$0x1830 ss:$0x81] =	vst.msk $0xffff, v3  }
.LBB1_3:
0x34: {  	v3 =	vld [tilespmem:s18+$0x10];
	p1 =	sne.s32 s17, $0x1FC;
	[tilespmem:s15+$0x810 ss:$0x81] =	vst.msk $0xffff, v2;
	s19 =	smov.u32 s17;
	s17 =	sadd.s32 $0x4, s17  }
.Ltmp3:
0x35: {  	v2 =	vld [tilespmem:s18+$0xFFFFFFF0];
	[tilespmem:s15+$0x1020 ss:$0x81] =	vst.msk $0xffff, v0;
	(pc) =	sbr.rel @p1 .LBB1_3-.Ltmp3, $4  }
0x36: {  	v0 =	vld [tilespmem:s18+$0x0];
	[tilespmem:s15+$0x0 ss:$0x81] =	vst.msk $0xffff, v1  }
0x37: {  	s15 =	sshra.s32 s19, $0x2;
	v1 =	vld [tilespmem:s18+$0xFFFFFFE0]  }
0x38: {  	s15 =	sadd.s32 s15, s16  }
0x39: {  	s18 =	sadd.s32 $0x40, s18;
	[tilespmem:s15+$0x1830 ss:$0x81] =	vst.msk $0xffff, v3  }
.Ltmp4:
0x3a: {  	_ = 	snop;
	(pc) =	sbr.rel .LBB1_4-.Ltmp4, $1  }
0x3b: {  	_ =	sdelay $0x3  }
.LBB1_6:
0x3c: {  	_ =	sfence.sel $0x180000  }
0x3d: {  	s2 =	simm.s32 $0x1;
	[bflag:$0x0] =	sbarrier.arrive $0xFFFF  }
0x3e: {  	s31 =	simm.s32 $0x2;
	[sflag:s2] =	ssyncpa.u1 $0x1  }
0x3f: {  	[sflag:s31] =	ssyncpa.u1 $0x1  }
0x40: {  	p0 =	sne.s32 s0, $0x0;
	_ =	strace $0x9000004A  }
0x41: {  	s0 =	sadd.s32 @!p0 $0x100000, s1;
	[bflag:$0x2] =	sbarrier.arrive $0xFFFF  }
0x42: {  	[sflag:s0] =	ssyncadd.tile.s32 @!p0 $0x1;
	_ =	shalt  }
.Lfunc_end1:
_tile_overlayer_lowered:
.L_overlay_start_2:
0x43: {  	(tag) =	ssettag $0x2  }
0x44: {  	s0 =	rddreg [dreg:$0x0];
	s2 =	stileid.u32  }
0x45: {  	s1 =	rddreg [dreg:$0x1];
	p0 =	sne.s32 s2, $0x0  }
0x46: {  	s3 =	rddreg [dreg:$0x2];
	[bflag:$0x3] =	sbarrier.arrive $0xFFFF;
	s2 =	simm.s32 @!p0 $0x1C01  }
0x47: {  	[timem:s3], [sflag:s2] =	dma.local @!p0 [hbm:s0], s1  }
0x48: {  	s0 =	simm.s32 @!p0 $0x1  }
0x49: {  	_ =	swait.ge @!p0 [sflag:s0], s1  }
0x4a: {  	s1 =	ssub.s32 @!p0 $0x0, s1;
	[sflag:s0] =	ssyncset.done @!p0 $0x0  }
0x4b: {  	[sflag:s0] =	ssyncadd.s32 @!p0 s1  }
0x4c: {  	[bflag:$0x3] =	sbarrier.arrive $0xFFFF  }
0x4d: {  	_ =	shalt  }

</sc_bundles>
